<compile_context>
chip_gen: v7x
topology: tpu7x:2x2x1
jax: 0.10.2.dev20260603
libtpu: 0.0.44.dev20260713+nightly
codegen_flags: <defaults>
</compile_context>

<pallas_src>
import functools

import jax
import jax.numpy as jnp
from jax import lax
from jax.experimental import pallas as pl
from jax.experimental.pallas import tpu as pltpu
from jax.experimental.pallas import tpu_sc as plsc

N_ENV = 1024
BUF = 512
N_OBS = 64
N_ACT = 16
BATCH = 256

NC = 2
NS = 16
NW = NC * NS
B = N_ENV * BATCH
RPW = B // NW
EPW = N_ENV // NW
SLAB = EPW * BUF
CHUNK = 128
NPAIR = RPW // (2 * CHUNK)


def _gather_start(table, idx_v, c, buf, sem):
    ids = idx_v.at[pl.ds(c * CHUNK, CHUNK)]
    pltpu.make_async_copy(table.at[ids], buf, sem).start()


def _gather_wait(table, idx_v, c, buf, sem):
    ids = idx_v.at[pl.ds(c * CHUNK, CHUNK)]
    pltpu.make_async_copy(table.at[ids], buf, sem).wait()


@functools.partial(
    pl.kernel,
    mesh=plsc.VectorSubcoreMesh(core_axis_name="c", subcore_axis_name="s"),
    compiler_params=pltpu.CompilerParams(
        needs_layout_passes=False, use_tc_tiling_on_sc=False),
    out_type=[
        jax.ShapeDtypeStruct((B, N_OBS), jnp.float32),
        jax.ShapeDtypeStruct((B, N_ACT), jnp.float32),
        jax.ShapeDtypeStruct((B,), jnp.float32),
        jax.ShapeDtypeStruct((B,), jnp.int32),
        jax.ShapeDtypeStruct((B,), jnp.int32),
        jax.ShapeDtypeStruct((B, N_OBS), jnp.float32),
    ],
    scratch_types=[
        pltpu.VMEM((RPW,), jnp.int32),
        pltpu.VMEM((SLAB,), jnp.float32),
        pltpu.VMEM((SLAB,), jnp.int32),
        pltpu.VMEM((SLAB,), jnp.int32),
        pltpu.VMEM((RPW,), jnp.float32),
        pltpu.VMEM((RPW,), jnp.int32),
        pltpu.VMEM((RPW,), jnp.int32),
        pltpu.VMEM((CHUNK, N_OBS), jnp.float32),
        pltpu.VMEM((CHUNK, N_OBS), jnp.float32),
        pltpu.VMEM((CHUNK, N_OBS), jnp.float32),
        pltpu.VMEM((CHUNK, N_OBS), jnp.float32),
        pltpu.VMEM((CHUNK, N_ACT), jnp.float32),
        pltpu.VMEM((CHUNK, N_ACT), jnp.float32),
        pltpu.SemaphoreType.DMA,
        pltpu.SemaphoreType.DMA,
        pltpu.SemaphoreType.DMA,
        pltpu.SemaphoreType.DMA,
    ],
)
def _sample(obs, nobs, act, rew, don, trn, idx,
            obs_o, act_o, rew_o, don_o, trn_o, nobs_o,
            idx_v, rew_v, don_v, trn_v, rew_ov, don_ov, trn_ov,
            obs_b0, obs_b1, nob_b0, nob_b1, act_b0, act_b1,
            sem_i, sem_t, sem0, sem1):
    wid = lax.axis_index("s") * NC + lax.axis_index("c")
    row0 = wid * RPW
    tab0 = wid * SLAB

    pltpu.make_async_copy(idx.at[pl.ds(row0, RPW)], idx_v, sem_i).start()
    pltpu.make_async_copy(rew.at[pl.ds(tab0, SLAB)], rew_v, sem_t).start()
    pltpu.make_async_copy(don.at[pl.ds(tab0, SLAB)], don_v, sem_t).start()
    pltpu.make_async_copy(trn.at[pl.ds(tab0, SLAB)], trn_v, sem_t).start()
    pltpu.make_async_copy(idx.at[pl.ds(row0, RPW)], idx_v, sem_i).wait()

    env0 = wid * EPW
    vpe = BATCH // 16

    def mk_gidx(j, _):
        off = (env0 + j // vpe) * BUF
        s = pl.ds(j * 16, 16)
        idx_v[s] = idx_v[s] + off
        return 0

    lax.fori_loop(0, RPW // 16, mk_gidx, 0)

    pltpu.make_async_copy(rew.at[pl.ds(tab0, SLAB)], rew_v, sem_t).wait()
    pltpu.make_async_copy(don.at[pl.ds(tab0, SLAB)], don_v, sem_t).wait()
    pltpu.make_async_copy(trn.at[pl.ds(tab0, SLAB)], trn_v, sem_t).wait()

    def sgather(j, _):
        s = pl.ds(j * 16, 16)
        li = idx_v[s] - tab0
        rew_ov[s] = plsc.load_gather(rew_v, [li])
        don_ov[s] = plsc.load_gather(don_v, [li])
        trn_ov[s] = plsc.load_gather(trn_v, [li])
        return 0

    SG_PER_PAIR = (RPW // 16) // NPAIR

    _gather_start(obs, idx_v, 0, obs_b0, sem0)
    _gather_start(nobs, idx_v, 0, nob_b0, sem0)
    _gather_start(act, idx_v, 0, act_b0, sem0)

    def pair(g, _):
        c0 = 2 * g
        c1 = 2 * g + 1
        _gather_start(obs, idx_v, c1, obs_b1, sem1)
        _gather_start(nobs, idx_v, c1, nob_b1, sem1)
        _gather_start(act, idx_v, c1, act_b1, sem1)
        lax.fori_loop(g * SG_PER_PAIR, (g + 1) * SG_PER_PAIR, sgather, 0)
        _gather_wait(obs, idx_v, c0, obs_b0, sem0)
        _gather_wait(nobs, idx_v, c0, nob_b0, sem0)
        _gather_wait(act, idx_v, c0, act_b0, sem0)
        o0 = row0 + c0 * CHUNK
        pltpu.sync_copy(obs_b0, obs_o.at[pl.ds(o0, CHUNK)])
        pltpu.sync_copy(nob_b0, nobs_o.at[pl.ds(o0, CHUNK)])
        pltpu.sync_copy(act_b0, act_o.at[pl.ds(o0, CHUNK)])

        @pl.when(g < NPAIR - 1)
        def _():
            _gather_start(obs, idx_v, c1 + 1, obs_b0, sem0)
            _gather_start(nobs, idx_v, c1 + 1, nob_b0, sem0)
            _gather_start(act, idx_v, c1 + 1, act_b0, sem0)

        _gather_wait(obs, idx_v, c1, obs_b1, sem1)
        _gather_wait(nobs, idx_v, c1, nob_b1, sem1)
        _gather_wait(act, idx_v, c1, act_b1, sem1)
        o1 = row0 + c1 * CHUNK
        pltpu.sync_copy(obs_b1, obs_o.at[pl.ds(o1, CHUNK)])
        pltpu.sync_copy(nob_b1, nobs_o.at[pl.ds(o1, CHUNK)])
        pltpu.sync_copy(act_b1, act_o.at[pl.ds(o1, CHUNK)])
        return 0

    lax.fori_loop(0, NPAIR, pair, 0)

    pltpu.sync_copy(rew_ov, rew_o.at[pl.ds(row0, RPW)])
    pltpu.sync_copy(don_ov, don_o.at[pl.ds(row0, RPW)])
    pltpu.sync_copy(trn_ov, trn_o.at[pl.ds(row0, RPW)])


def kernel(observations, actions, rewards, dones, truncations,
           next_observations, indices):
    obs = observations.reshape(N_ENV * BUF, N_OBS)
    nobs = next_observations.reshape(N_ENV * BUF, N_OBS)
    act = actions.reshape(N_ENV * BUF, N_ACT)
    rew = rewards.reshape(-1)
    don = dones.reshape(-1)
    trn = truncations.reshape(-1)
    idx = indices.reshape(-1)
    obs_s, act_s, rew_s, don_s, trn_s, nobs_s = _sample(
        obs, nobs, act, rew, don, trn, idx)
    eff = jnp.ones((B,), jnp.int32)
    return (obs_s, act_s, rew_s, don_s, trn_s, nobs_s, eff)

# --- scband reference (transcript-rebuilt; emitter-appended) ---
"""Pipeline reference for scband-simple-replay-buffer-12979391168841 (READ-ONLY COPY).

The authoritative reference and input builder live on the scoring server;
editing this copy changes nothing except your own understanding.
"""

import jax, jax.numpy as jnp
import numpy as np

N_ENV = 1024
BUF = 512
N_OBS = 64
N_ACT = 16
BATCH = 256


def setup_inputs(seed: int = 0) -> dict:
    key = jax.random.key(seed)
    ks = jax.random.split(key, 8)
    observations = jax.random.normal(ks[0], (N_ENV, BUF, N_OBS), dtype=jnp.float32)
    actions = jax.random.normal(ks[1], (N_ENV, BUF, N_ACT), dtype=jnp.float32)
    rewards = jax.random.normal(ks[2], (N_ENV, BUF), dtype=jnp.float32)
    dones = jax.random.randint(ks[3], (N_ENV, BUF), 0, 2, dtype=jnp.int32)
    truncations = jax.random.randint(ks[4], (N_ENV, BUF), 0, 2, dtype=jnp.int32)
    next_observations = jax.random.normal(ks[5], (N_ENV, BUF, N_OBS), dtype=jnp.float32)
    indices = jax.random.randint(ks[6], (N_ENV, BATCH), 0, BUF, dtype=jnp.int32)
    return {
        'observations': observations,
        'actions': actions,
        'rewards': rewards,
        'dones': dones,
        'truncations': truncations,
        'next_observations': next_observations,
        'indices': indices,
    }


def reference(observations, actions, rewards, dones, truncations, next_observations, indices):
    # Faithful port of SimpleReplayBuffer.sample: batched gather along the
    # buffer axis (dim 1), then flatten (n_env, batch) -> (n_env*batch,).
    idx3 = indices[:, :, None]  # broadcasts over trailing feature dim
    obs_s = jnp.take_along_axis(observations, idx3, axis=1).reshape(N_ENV * BATCH, N_OBS)
    next_obs_s = jnp.take_along_axis(next_observations, idx3, axis=1).reshape(N_ENV * BATCH, N_OBS)
    act_s = jnp.take_along_axis(actions, idx3, axis=1).reshape(N_ENV * BATCH, N_ACT)
    rew_s = jnp.take_along_axis(rewards, indices, axis=1).reshape(N_ENV * BATCH)
    dones_s = jnp.take_along_axis(dones, indices, axis=1).reshape(N_ENV * BATCH)
    trunc_s = jnp.take_along_axis(truncations, indices, axis=1).reshape(N_ENV * BATCH)
    effective_n_steps = jnp.ones_like(dones_s)
    return (obs_s, act_s, rew_s, dones_s, trunc_s, next_obs_s, effective_n_steps)

if __name__ == "__main__":
    import jax
    _d = setup_inputs()
    print(jax.jit(kernel)(*tuple(_d.values())))

</pallas_src>

<mosaic_0001>
#map = affine_map<(d0, d1) -> (0, 0)>
#map1 = affine_map<(d0, d1) -> (0)>
module attributes {stable_mosaic.version = 14 : i64} {
  func.func @_sample(%arg0: i32, %arg1: i32, %arg2: memref<524288x64xf32, #tpu.memory_space<hbm>>, %arg3: memref<524288x64xf32, #tpu.memory_space<hbm>>, %arg4: memref<524288x16xf32, #tpu.memory_space<hbm>>, %arg5: memref<524288xf32, #tpu.memory_space<hbm>>, %arg6: memref<524288xi32, #tpu.memory_space<hbm>>, %arg7: memref<524288xi32, #tpu.memory_space<hbm>>, %arg8: memref<262144xi32, #tpu.memory_space<hbm>>, %arg9: memref<262144x64xf32, #tpu.memory_space<hbm>>, %arg10: memref<262144x16xf32, #tpu.memory_space<hbm>>, %arg11: memref<262144xf32, #tpu.memory_space<hbm>>, %arg12: memref<262144xi32, #tpu.memory_space<hbm>>, %arg13: memref<262144xi32, #tpu.memory_space<hbm>>, %arg14: memref<262144x64xf32, #tpu.memory_space<hbm>>, %arg15: memref<8192xi32, #tpu.memory_space<vmem>>, %arg16: memref<16384xf32, #tpu.memory_space<vmem>>, %arg17: memref<16384xi32, #tpu.memory_space<vmem>>, %arg18: memref<16384xi32, #tpu.memory_space<vmem>>, %arg19: memref<8192xf32, #tpu.memory_space<vmem>>, %arg20: memref<8192xi32, #tpu.memory_space<vmem>>, %arg21: memref<8192xi32, #tpu.memory_space<vmem>>, %arg22: memref<128x64xf32, #tpu.memory_space<vmem>>, %arg23: memref<128x64xf32, #tpu.memory_space<vmem>>, %arg24: memref<128x64xf32, #tpu.memory_space<vmem>>, %arg25: memref<128x64xf32, #tpu.memory_space<vmem>>, %arg26: memref<128x16xf32, #tpu.memory_space<vmem>>, %arg27: memref<128x16xf32, #tpu.memory_space<vmem>>, %arg28: memref<!tpu.dma_semaphore, #tpu.memory_space<semaphore_mem>>, %arg29: memref<!tpu.dma_semaphore, #tpu.memory_space<semaphore_mem>>, %arg30: memref<!tpu.dma_semaphore, #tpu.memory_space<semaphore_mem>>, %arg31: memref<!tpu.dma_semaphore, #tpu.memory_space<semaphore_mem>>) attributes {dimension_semantics = [#tpu.dimension_semantics<core_parallel>, #tpu.dimension_semantics<subcore_parallel>], iteration_bounds = array<i64: 2, 16>, scalar_prefetch = 0 : i64, scratch_operands = 17 : i64, tpu.core_type = #tpu.core_type<sc_vector_subcore>, window_params = [{transform_indices = #map}, {transform_indices = #map}, {transform_indices = #map}, {transform_indices = #map1}, {transform_indices = #map1}, {transform_indices = #map1}, {transform_indices = #map1}, {transform_indices = #map}, {transform_indices = #map}, {transform_indices = #map1}, {transform_indices = #map1}, {transform_indices = #map1}, {transform_indices = #map}]} {
    %mul3A = arith.constant 2 : i32
    %mul3A_0 = arith.muli %arg1, %mul3A : i32
    %add3A = arith.addi %mul3A_0, %arg0 : i32
    %mul3A_1 = arith.constant 8192 : i32
    %mul3A_2 = arith.muli %add3A, %mul3A_1 : i32
    %mul3A_3 = arith.constant 16384 : i32
    %mul3A_4 = arith.muli %add3A, %mul3A_3 : i32
    %dma_start3A = tpu.memref_slice %arg8[%mul3A_2] : memref<262144xi32, #tpu.memory_space<hbm>> -> memref<8192xi32, #tpu.memory_space<hbm>>
    %dma_start3A_5 = tpu.memref_slice %arg8[%mul3A_2] : memref<262144xi32, #tpu.memory_space<hbm>> -> memref<8192xi32, #tpu.memory_space<hbm>>
    tpu.enqueue_dma source(%dma_start3A_5 : memref<8192xi32, #tpu.memory_space<hbm>>) target(%arg15 : memref<8192xi32, #tpu.memory_space<vmem>>) target_semaphore(%arg28 : memref<!tpu.dma_semaphore, #tpu.memory_space<semaphore_mem>>)
    %dma_start3A_6 = tpu.memref_slice %arg5[%mul3A_4] : memref<524288xf32, #tpu.memory_space<hbm>> -> memref<16384xf32, #tpu.memory_space<hbm>>
    %dma_start3A_7 = tpu.memref_slice %arg5[%mul3A_4] : memref<524288xf32, #tpu.memory_space<hbm>> -> memref<16384xf32, #tpu.memory_space<hbm>>
    tpu.enqueue_dma source(%dma_start3A_7 : memref<16384xf32, #tpu.memory_space<hbm>>) target(%arg16 : memref<16384xf32, #tpu.memory_space<vmem>>) target_semaphore(%arg29 : memref<!tpu.dma_semaphore, #tpu.memory_space<semaphore_mem>>)
    %dma_start3A_8 = tpu.memref_slice %arg6[%mul3A_4] : memref<524288xi32, #tpu.memory_space<hbm>> -> memref<16384xi32, #tpu.memory_space<hbm>>
    %dma_start3A_9 = tpu.memref_slice %arg6[%mul3A_4] : memref<524288xi32, #tpu.memory_space<hbm>> -> memref<16384xi32, #tpu.memory_space<hbm>>
    tpu.enqueue_dma source(%dma_start3A_9 : memref<16384xi32, #tpu.memory_space<hbm>>) target(%arg17 : memref<16384xi32, #tpu.memory_space<vmem>>) target_semaphore(%arg29 : memref<!tpu.dma_semaphore, #tpu.memory_space<semaphore_mem>>)
    %dma_start3A_10 = tpu.memref_slice %arg7[%mul3A_4] : memref<524288xi32, #tpu.memory_space<hbm>> -> memref<16384xi32, #tpu.memory_space<hbm>>
    %dma_start3A_11 = tpu.memref_slice %arg7[%mul3A_4] : memref<524288xi32, #tpu.memory_space<hbm>> -> memref<16384xi32, #tpu.memory_space<hbm>>
    tpu.enqueue_dma source(%dma_start3A_11 : memref<16384xi32, #tpu.memory_space<hbm>>) target(%arg18 : memref<16384xi32, #tpu.memory_space<vmem>>) target_semaphore(%arg29 : memref<!tpu.dma_semaphore, #tpu.memory_space<semaphore_mem>>)
    %dma_wait3A = tpu.memref_slice %arg8[%mul3A_2] : memref<262144xi32, #tpu.memory_space<hbm>> -> memref<8192xi32, #tpu.memory_space<hbm>>
    %dma_wait3A_12 = tpu.memref_slice %arg8[%mul3A_2] : memref<262144xi32, #tpu.memory_space<hbm>> -> memref<8192xi32, #tpu.memory_space<hbm>>
    tpu.wait_dma2 semaphore(%arg28 : memref<!tpu.dma_semaphore, #tpu.memory_space<semaphore_mem>>) src(%dma_wait3A_12 : memref<8192xi32, #tpu.memory_space<hbm>>) dst(%arg15 : memref<8192xi32, #tpu.memory_space<vmem>>)
    %mul3A_13 = arith.constant 32 : i32
    %mul3A_14 = arith.muli %add3A, %mul3A_13 : i32
    %scan3A = arith.constant 0 : i32
    %scan3A_15 = arith.constant 0 : i32
    %scan3A_16 = arith.constant 512 : i32
    %scan3A_17 = arith.addi %scan3A_15, %scan3A_16 : i32
    %scan3A_18 = arith.constant 1 : i32
    %scan3A_19 = scf.for %scan3A_49 = %scan3A_15 to %scan3A_17 step %scan3A_18 iter_args(%scan3A_50 = %scan3A) -> (i32)  : i32 {
      %jit3A = arith.constant 16 : i32
      %div3A = arith.divsi %scan3A_49, %jit3A : i32
      %sign3A = arith.constant 0 : i32
      %sign3A_51 = arith.cmpi sgt, %scan3A_49, %sign3A : i32
      %sign3A_52 = arith.extui %sign3A_51 : i1 to i32
      %sign3A_53 = arith.constant 0 : i32
      %sign3A_54 = arith.cmpi slt, %scan3A_49, %sign3A_53 : i32
      %sign3A_55 = arith.extui %sign3A_54 : i1 to i32
      %sign3A_56 = arith.subi %sign3A_52, %sign3A_55 : i32
      %sign3A_57 = arith.constant 0 : i32
      %sign3A_58 = arith.cmpi sgt, %jit3A, %sign3A_57 : i32
      %sign3A_59 = arith.extui %sign3A_58 : i1 to i32
      %sign3A_60 = arith.constant 0 : i32
      %sign3A_61 = arith.cmpi slt, %jit3A, %sign3A_60 : i32
      %sign3A_62 = arith.extui %sign3A_61 : i1 to i32
      %sign3A_63 = arith.subi %sign3A_59, %sign3A_62 : i32
      %ne3A = arith.cmpi ne, %sign3A_56, %sign3A_63 : i32
      %rem3A = arith.remsi %scan3A_49, %jit3A : i32
      %ne3A_64 = arith.constant 0 : i32
      %ne3A_65 = arith.cmpi ne, %rem3A, %ne3A_64 : i32
      %and3A = arith.andi %ne3A, %ne3A_65 : i1
      %sub3A = arith.constant 1 : i32
      %sub3A_66 = arith.subi %div3A, %sub3A : i32
      %select_n3A = arith.select %and3A, %sub3A_66, %div3A : i32
      %add3A_67 = arith.addi %mul3A_14, %select_n3A : i32
      %mul3A_68 = arith.constant 512 : i32
      %mul3A_69 = arith.muli %add3A_67, %mul3A_68 : i32
      %mul3A_70 = arith.constant 16 : i32
      %mul3A_71 = arith.muli %scan3A_49, %mul3A_70 : i32
      %get3A = arith.index_cast %mul3A_71 : i32 to index
      %get3A_72 = tpu.vector_load %arg15[%get3A] {strides = array<i32>} : memref<8192xi32, #tpu.memory_space<vmem>>, vector<16xi32>,
      %add3A_73 = vector.broadcast %mul3A_69 : i32 to vector<16xi32>
      %add3A_74 = arith.addi %get3A_72, %add3A_73 : vector<16xi32>
      %swap3A = arith.index_cast %mul3A_71 : i32 to index
      %swap3A_75 = tpu.vector_load %arg15[%swap3A] {strides = array<i32>} : memref<8192xi32, #tpu.memory_space<vmem>>, vector<16xi32>,
      tpu.vector_store %arg15[%swap3A], %add3A_74 {strides = array<i32>} : memref<8192xi32, #tpu.memory_space<vmem>>, vector<16xi32>,
      %scan3A_76 = arith.constant 0 : i32
      scf.yield %scan3A_76 : i32
    }
    %scan3A_20 = arith.constant 512 : i32
    %dma_wait3A_21 = tpu.memref_slice %arg5[%mul3A_4] : memref<524288xf32, #tpu.memory_space<hbm>> -> memref<16384xf32, #tpu.memory_space<hbm>>
    %dma_wait3A_22 = tpu.memref_slice %arg5[%mul3A_4] : memref<524288xf32, #tpu.memory_space<hbm>> -> memref<16384xf32, #tpu.memory_space<hbm>>
    tpu.wait_dma2 semaphore(%arg29 : memref<!tpu.dma_semaphore, #tpu.memory_space<semaphore_mem>>) src(%dma_wait3A_22 : memref<16384xf32, #tpu.memory_space<hbm>>) dst(%arg16 : memref<16384xf32, #tpu.memory_space<vmem>>)
    %dma_wait3A_23 = tpu.memref_slice %arg6[%mul3A_4] : memref<524288xi32, #tpu.memory_space<hbm>> -> memref<16384xi32, #tpu.memory_space<hbm>>
    %dma_wait3A_24 = tpu.memref_slice %arg6[%mul3A_4] : memref<524288xi32, #tpu.memory_space<hbm>> -> memref<16384xi32, #tpu.memory_space<hbm>>
    tpu.wait_dma2 semaphore(%arg29 : memref<!tpu.dma_semaphore, #tpu.memory_space<semaphore_mem>>) src(%dma_wait3A_24 : memref<16384xi32, #tpu.memory_space<hbm>>) dst(%arg17 : memref<16384xi32, #tpu.memory_space<vmem>>)
    %dma_wait3A_25 = tpu.memref_slice %arg7[%mul3A_4] : memref<524288xi32, #tpu.memory_space<hbm>> -> memref<16384xi32, #tpu.memory_space<hbm>>
    %dma_wait3A_26 = tpu.memref_slice %arg7[%mul3A_4] : memref<524288xi32, #tpu.memory_space<hbm>> -> memref<16384xi32, #tpu.memory_space<hbm>>
    tpu.wait_dma2 semaphore(%arg29 : memref<!tpu.dma_semaphore, #tpu.memory_space<semaphore_mem>>) src(%dma_wait3A_26 : memref<16384xi32, #tpu.memory_space<hbm>>) dst(%arg18 : memref<16384xi32, #tpu.memory_space<vmem>>)
    %dma_start3A_27 = arith.constant 0 : i32
    %dma_start3A_28 = tpu.memref_slice %arg15[%dma_start3A_27] : memref<8192xi32, #tpu.memory_space<vmem>> -> memref<128xi32, #tpu.memory_space<vmem>>
    %dma_start3A_29 = arith.constant 0 : i32
    %dma_start3A_30 = arith.constant 0 : i32
    %dma_start3A_31 = tpu.memref_slice %arg2[%dma_start3A_29, %dma_start3A_30] : memref<524288x64xf32, #tpu.memory_space<hbm>> -> memref<524288x64xf32, #tpu.memory_space<hbm>>
    tpu.enqueue_indirect_dma source(%dma_start3A_31 : memref<524288x64xf32, #tpu.memory_space<hbm>>) target(%arg22 : memref<128x64xf32, #tpu.memory_space<vmem>>) offsets(%dma_start3A_28 : memref<128xi32, #tpu.memory_space<vmem>>) semaphore(%arg30 : memref<!tpu.dma_semaphore, #tpu.memory_space<semaphore_mem>>)
    %dma_start3A_32 = arith.constant 0 : i32
    %dma_start3A_33 = tpu.memref_slice %arg15[%dma_start3A_32] : memref<8192xi32, #tpu.memory_space<vmem>> -> memref<128xi32, #tpu.memory_space<vmem>>
    %dma_start3A_34 = arith.constant 0 : i32
    %dma_start3A_35 = arith.constant 0 : i32
    %dma_start3A_36 = tpu.memref_slice %arg3[%dma_start3A_34, %dma_start3A_35] : memref<524288x64xf32, #tpu.memory_space<hbm>> -> memref<524288x64xf32, #tpu.memory_space<hbm>>
    tpu.enqueue_indirect_dma source(%dma_start3A_36 : memref<524288x64xf32, #tpu.memory_space<hbm>>) target(%arg24 : memref<128x64xf32, #tpu.memory_space<vmem>>) offsets(%dma_start3A_33 : memref<128xi32, #tpu.memory_space<vmem>>) semaphore(%arg30 : memref<!tpu.dma_semaphore, #tpu.memory_space<semaphore_mem>>)
    %dma_start3A_37 = arith.constant 0 : i32
    %dma_start3A_38 = tpu.memref_slice %arg15[%dma_start3A_37] : memref<8192xi32, #tpu.memory_space<vmem>> -> memref<128xi32, #tpu.memory_space<vmem>>
    %dma_start3A_39 = arith.constant 0 : i32
    %dma_start3A_40 = arith.constant 0 : i32
    %dma_start3A_41 = tpu.memref_slice %arg4[%dma_start3A_39, %dma_start3A_40] : memref<524288x16xf32, #tpu.memory_space<hbm>> -> memref<524288x16xf32, #tpu.memory_space<hbm>>
    tpu.enqueue_indirect_dma source(%dma_start3A_41 : memref<524288x16xf32, #tpu.memory_space<hbm>>) target(%arg26 : memref<128x16xf32, #tpu.memory_space<vmem>>) offsets(%dma_start3A_38 : memref<128xi32, #tpu.memory_space<vmem>>) semaphore(%arg30 : memref<!tpu.dma_semaphore, #tpu.memory_space<semaphore_mem>>)
    %scan3A_42 = arith.constant 0 : i32
    %scan3A_43 = arith.constant 0 : i32
    %scan3A_44 = arith.constant 32 : i32
    %scan3A_45 = arith.addi %scan3A_43, %scan3A_44 : i32
    %scan3A_46 = arith.constant 1 : i32
    %scan3A_47 = scf.for %scan3A_49 = %scan3A_43 to %scan3A_45 step %scan3A_46 iter_args(%scan3A_50 = %scan3A_42) -> (i32)  : i32 {
      %mul3A_51 = arith.constant 2 : i32
      %mul3A_52 = arith.muli %mul3A_51, %scan3A_49 : i32
      %mul3A_53 = arith.constant 2 : i32
      %mul3A_54 = arith.muli %mul3A_53, %scan3A_49 : i32
      %add3A_55 = arith.constant 1 : i32
      %add3A_56 = arith.addi %mul3A_54, %add3A_55 : i32
      %mul3A_57 = arith.constant 128 : i32
      %mul3A_58 = arith.muli %add3A_56, %mul3A_57 : i32
      %dma_start3A_59 = tpu.memref_slice %arg15[%mul3A_58] : memref<8192xi32, #tpu.memory_space<vmem>> -> memref<128xi32, #tpu.memory_space<vmem>>
      %dma_start3A_60 = arith.constant 0 : i32
      %dma_start3A_61 = arith.constant 0 : i32
      %dma_start3A_62 = tpu.memref_slice %arg2[%dma_start3A_60, %dma_start3A_61] : memref<524288x64xf32, #tpu.memory_space<hbm>> -> memref<524288x64xf32, #tpu.memory_space<hbm>>
      tpu.enqueue_indirect_dma source(%dma_start3A_62 : memref<524288x64xf32, #tpu.memory_space<hbm>>) target(%arg23 : memref<128x64xf32, #tpu.memory_space<vmem>>) offsets(%dma_start3A_59 : memref<128xi32, #tpu.memory_space<vmem>>) semaphore(%arg31 : memref<!tpu.dma_semaphore, #tpu.memory_space<semaphore_mem>>)
      %mul3A_63 = arith.constant 128 : i32
      %mul3A_64 = arith.muli %add3A_56, %mul3A_63 : i32
      %dma_start3A_65 = tpu.memref_slice %arg15[%mul3A_64] : memref<8192xi32, #tpu.memory_space<vmem>> -> memref<128xi32, #tpu.memory_space<vmem>>
      %dma_start3A_66 = arith.constant 0 : i32
      %dma_start3A_67 = arith.constant 0 : i32
      %dma_start3A_68 = tpu.memref_slice %arg3[%dma_start3A_66, %dma_start3A_67] : memref<524288x64xf32, #tpu.memory_space<hbm>> -> memref<524288x64xf32, #tpu.memory_space<hbm>>
      tpu.enqueue_indirect_dma source(%dma_start3A_68 : memref<524288x64xf32, #tpu.memory_space<hbm>>) target(%arg25 : memref<128x64xf32, #tpu.memory_space<vmem>>) offsets(%dma_start3A_65 : memref<128xi32, #tpu.memory_space<vmem>>) semaphore(%arg31 : memref<!tpu.dma_semaphore, #tpu.memory_space<semaphore_mem>>)
      %mul3A_69 = arith.constant 128 : i32
      %mul3A_70 = arith.muli %add3A_56, %mul3A_69 : i32
      %dma_start3A_71 = tpu.memref_slice %arg15[%mul3A_70] : memref<8192xi32, #tpu.memory_space<vmem>> -> memref<128xi32, #tpu.memory_space<vmem>>
      %dma_start3A_72 = arith.constant 0 : i32
      %dma_start3A_73 = arith.constant 0 : i32
      %dma_start3A_74 = tpu.memref_slice %arg4[%dma_start3A_72, %dma_start3A_73] : memref<524288x16xf32, #tpu.memory_space<hbm>> -> memref<524288x16xf32, #tpu.memory_space<hbm>>
      tpu.enqueue_indirect_dma source(%dma_start3A_74 : memref<524288x16xf32, #tpu.memory_space<hbm>>) target(%arg27 : memref<128x16xf32, #tpu.memory_space<vmem>>) offsets(%dma_start3A_71 : memref<128xi32, #tpu.memory_space<vmem>>) semaphore(%arg31 : memref<!tpu.dma_semaphore, #tpu.memory_space<semaphore_mem>>)
      %mul3A_75 = arith.constant 16 : i32
      %mul3A_76 = arith.muli %scan3A_49, %mul3A_75 : i32
      %add3A_77 = arith.constant 1 : i32
      %add3A_78 = arith.addi %scan3A_49, %add3A_77 : i32
      %mul3A_79 = arith.constant 16 : i32
      %mul3A_80 = arith.muli %add3A_78, %mul3A_79 : i32
      %while3A = arith.constant 0 : i32
      %while3A_81 = arith.subi %mul3A_80, %mul3A_76 : i32
      %while3A_82 = arith.addi %mul3A_76, %while3A_81 : i32
      %while3A_83 = arith.constant 1 : i32
      %while3A_84 = arith.divsi %while3A_81, %while3A_83 : i32
      %while3A_85 = arith.muli %while3A_84, %while3A_83 : i32
      %while3A_86 = arith.addi %mul3A_76, %while3A_85 : i32
      %while3A_87 = arith.constant 1 : i32
      %while3A_88 = scf.for %while3A_136 = %mul3A_76 to %while3A_86 step %while3A_87 iter_args(%while3A_137 = %while3A) -> (i32)  : i32 {
        %mul3A_138 = arith.constant 16 : i32
        %mul3A_139 = arith.muli %while3A_136, %mul3A_138 : i32
        %get3A = arith.index_cast %mul3A_139 : i32 to index
        %get3A_140 = tpu.vector_load %arg15[%get3A] {strides = array<i32>} : memref<8192xi32, #tpu.memory_space<vmem>>, vector<16xi32>,
        %sub3A = vector.broadcast %mul3A_4 : i32 to vector<16xi32>
        %sub3A_141 = arith.subi %get3A_140, %sub3A : vector<16xi32>
        %gather3A = tpu.vector_load_idx %arg16[%sub3A_141] : memref<16384xf32, #tpu.memory_space<vmem>>[vector<16xi32>], vector<16xf32>,
        %swap3A = arith.index_cast %mul3A_139 : i32 to index
        %swap3A_142 = tpu.vector_load %arg19[%swap3A] {strides = array<i32>} : memref<8192xf32, #tpu.memory_space<vmem>>, vector<16xf32>,
        tpu.vector_store %arg19[%swap3A], %gather3A {strides = array<i32>} : memref<8192xf32, #tpu.memory_space<vmem>>, vector<16xf32>,
        %gather3A_143 = tpu.vector_load_idx %arg17[%sub3A_141] : memref<16384xi32, #tpu.memory_space<vmem>>[vector<16xi32>], vector<16xi32>,
        %swap3A_144 = arith.index_cast %mul3A_139 : i32 to index
        %swap3A_145 = tpu.vector_load %arg20[%swap3A_144] {strides = array<i32>} : memref<8192xi32, #tpu.memory_space<vmem>>, vector<16xi32>,
        tpu.vector_store %arg20[%swap3A_144], %gather3A_143 {strides = array<i32>} : memref<8192xi32, #tpu.memory_space<vmem>>, vector<16xi32>,
        %gather3A_146 = tpu.vector_load_idx %arg18[%sub3A_141] : memref<16384xi32, #tpu.memory_space<vmem>>[vector<16xi32>], vector<16xi32>,
        %swap3A_147 = arith.index_cast %mul3A_139 : i32 to index
        %swap3A_148 = tpu.vector_load %arg21[%swap3A_147] {strides = array<i32>} : memref<8192xi32, #tpu.memory_space<vmem>>, vector<16xi32>,
        tpu.vector_store %arg21[%swap3A_147], %gather3A_146 {strides = array<i32>} : memref<8192xi32, #tpu.memory_space<vmem>>, vector<16xi32>,
        %while3A_149 = arith.constant 0 : i32
        scf.yield %while3A_149 : i32
      }
      %while3A_89 = arith.constant 1 : i32
      %while3A_90 = scf.for %while3A_136 = %while3A_86 to %while3A_82 step %while3A_89 iter_args(%while3A_137 = %while3A_88) -> (i32)  : i32 {
        %mul3A_138 = arith.constant 16 : i32
        %mul3A_139 = arith.muli %while3A_136, %mul3A_138 : i32
        %get3A = arith.index_cast %mul3A_139 : i32 to index
        %get3A_140 = tpu.vector_load %arg15[%get3A] {strides = array<i32>} : memref<8192xi32, #tpu.memory_space<vmem>>, vector<16xi32>,
        %sub3A = vector.broadcast %mul3A_4 : i32 to vector<16xi32>
        %sub3A_141 = arith.subi %get3A_140, %sub3A : vector<16xi32>
        %gather3A = tpu.vector_load_idx %arg16[%sub3A_141] : memref<16384xf32, #tpu.memory_space<vmem>>[vector<16xi32>], vector<16xf32>,
        %swap3A = arith.index_cast %mul3A_139 : i32 to index
        %swap3A_142 = tpu.vector_load %arg19[%swap3A] {strides = array<i32>} : memref<8192xf32, #tpu.memory_space<vmem>>, vector<16xf32>,
        tpu.vector_store %arg19[%swap3A], %gather3A {strides = array<i32>} : memref<8192xf32, #tpu.memory_space<vmem>>, vector<16xf32>,
        %gather3A_143 = tpu.vector_load_idx %arg17[%sub3A_141] : memref<16384xi32, #tpu.memory_space<vmem>>[vector<16xi32>], vector<16xi32>,
        %swap3A_144 = arith.index_cast %mul3A_139 : i32 to index
        %swap3A_145 = tpu.vector_load %arg20[%swap3A_144] {strides = array<i32>} : memref<8192xi32, #tpu.memory_space<vmem>>, vector<16xi32>,
        tpu.vector_store %arg20[%swap3A_144], %gather3A_143 {strides = array<i32>} : memref<8192xi32, #tpu.memory_space<vmem>>, vector<16xi32>,
        %gather3A_146 = tpu.vector_load_idx %arg18[%sub3A_141] : memref<16384xi32, #tpu.memory_space<vmem>>[vector<16xi32>], vector<16xi32>,
        %swap3A_147 = arith.index_cast %mul3A_139 : i32 to index
        %swap3A_148 = tpu.vector_load %arg21[%swap3A_147] {strides = array<i32>} : memref<8192xi32, #tpu.memory_space<vmem>>, vector<16xi32>,
        tpu.vector_store %arg21[%swap3A_147], %gather3A_146 {strides = array<i32>} : memref<8192xi32, #tpu.memory_space<vmem>>, vector<16xi32>,
        %while3A_149 = arith.constant 0 : i32
        scf.yield %while3A_149 : i32
      }
      %mul3A_91 = arith.constant 128 : i32
      %mul3A_92 = arith.muli %mul3A_52, %mul3A_91 : i32
      %dma_wait3A_93 = tpu.memref_slice %arg15[%mul3A_92] : memref<8192xi32, #tpu.memory_space<vmem>> -> memref<128xi32, #tpu.memory_space<vmem>>
      %dma_wait3A_94 = arith.constant 0 : i32
      %dma_wait3A_95 = arith.constant 0 : i32
      %dma_wait3A_96 = tpu.memref_slice %arg2[%dma_wait3A_94, %dma_wait3A_95] : memref<524288x64xf32, #tpu.memory_space<hbm>> -> memref<524288x64xf32, #tpu.memory_space<hbm>>
      tpu.wait_indirect_dma semaphore(%arg30 : memref<!tpu.dma_semaphore, #tpu.memory_space<semaphore_mem>>) src(%dma_wait3A_96 : memref<524288x64xf32, #tpu.memory_space<hbm>>) dst(%arg22 : memref<128x64xf32, #tpu.memory_space<vmem>>)
      %mul3A_97 = arith.constant 128 : i32
      %mul3A_98 = arith.muli %mul3A_52, %mul3A_97 : i32
      %dma_wait3A_99 = tpu.memref_slice %arg15[%mul3A_98] : memref<8192xi32, #tpu.memory_space<vmem>> -> memref<128xi32, #tpu.memory_space<vmem>>
      %dma_wait3A_100 = arith.constant 0 : i32
      %dma_wait3A_101 = arith.constant 0 : i32
      %dma_wait3A_102 = tpu.memref_slice %arg3[%dma_wait3A_100, %dma_wait3A_101] : memref<524288x64xf32, #tpu.memory_space<hbm>> -> memref<524288x64xf32, #tpu.memory_space<hbm>>
      tpu.wait_indirect_dma semaphore(%arg30 : memref<!tpu.dma_semaphore, #tpu.memory_space<semaphore_mem>>) src(%dma_wait3A_102 : memref<524288x64xf32, #tpu.memory_space<hbm>>) dst(%arg24 : memref<128x64xf32, #tpu.memory_space<vmem>>)
      %mul3A_103 = arith.constant 128 : i32
      %mul3A_104 = arith.muli %mul3A_52, %mul3A_103 : i32
      %dma_wait3A_105 = tpu.memref_slice %arg15[%mul3A_104] : memref<8192xi32, #tpu.memory_space<vmem>> -> memref<128xi32, #tpu.memory_space<vmem>>
      %dma_wait3A_106 = arith.constant 0 : i32
      %dma_wait3A_107 = arith.constant 0 : i32
      %dma_wait3A_108 = tpu.memref_slice %arg4[%dma_wait3A_106, %dma_wait3A_107] : memref<524288x16xf32, #tpu.memory_space<hbm>> -> memref<524288x16xf32, #tpu.memory_space<hbm>>
      tpu.wait_indirect_dma semaphore(%arg30 : memref<!tpu.dma_semaphore, #tpu.memory_space<semaphore_mem>>) src(%dma_wait3A_108 : memref<524288x16xf32, #tpu.memory_space<hbm>>) dst(%arg26 : memref<128x16xf32, #tpu.memory_space<vmem>>)
      %mul3A_109 = arith.constant 128 : i32
      %mul3A_110 = arith.muli %mul3A_52, %mul3A_109 : i32
      %add3A_111 = arith.addi %mul3A_2, %mul3A_110 : i32
      "tpu.region"() ({
        %run_scoped3A = tpu.sem_alloc : memref<!tpu.dma_semaphore, #tpu.memory_space<semaphore_mem>>
        %dma_start3A_136 = arith.constant 0 : i32
        %dma_start3A_137 = tpu.memref_slice %arg9[%add3A_111, %dma_start3A_136] : memref<262144x64xf32, #tpu.memory_space<hbm>> -> memref<128x64xf32, #tpu.memory_space<hbm>>
        %dma_start3A_138 = arith.constant 0 : i32
        %dma_start3A_139 = tpu.memref_slice %arg9[%add3A_111, %dma_start3A_138] : memref<262144x64xf32, #tpu.memory_space<hbm>> -> memref<128x64xf32, #tpu.memory_space<hbm>>
        tpu.enqueue_dma source(%arg22 : memref<128x64xf32, #tpu.memory_space<vmem>>) target(%dma_start3A_139 : memref<128x64xf32, #tpu.memory_space<hbm>>) target_semaphore(%run_scoped3A : memref<!tpu.dma_semaphore, #tpu.memory_space<semaphore_mem>>)
        %dma_wait3A_140 = arith.constant 0 : i32
        %dma_wait3A_141 = tpu.memref_slice %arg9[%add3A_111, %dma_wait3A_140] : memref<262144x64xf32, #tpu.memory_space<hbm>> -> memref<128x64xf32, #tpu.memory_space<hbm>>
        %dma_wait3A_142 = arith.constant 0 : i32
        %dma_wait3A_143 = tpu.memref_slice %arg9[%add3A_111, %dma_wait3A_142] : memref<262144x64xf32, #tpu.memory_space<hbm>> -> memref<128x64xf32, #tpu.memory_space<hbm>>
        tpu.wait_dma2 semaphore(%run_scoped3A : memref<!tpu.dma_semaphore, #tpu.memory_space<semaphore_mem>>) src(%arg22 : memref<128x64xf32, #tpu.memory_space<vmem>>) dst(%dma_wait3A_143 : memref<128x64xf32, #tpu.memory_space<hbm>>)
        tpu.yield
      }) : () -> ()
      "tpu.region"() ({
        %run_scoped3A = tpu.sem_alloc : memref<!tpu.dma_semaphore, #tpu.memory_space<semaphore_mem>>
        %dma_start3A_136 = arith.constant 0 : i32
        %dma_start3A_137 = tpu.memref_slice %arg14[%add3A_111, %dma_start3A_136] : memref<262144x64xf32, #tpu.memory_space<hbm>> -> memref<128x64xf32, #tpu.memory_space<hbm>>
        %dma_start3A_138 = arith.constant 0 : i32
        %dma_start3A_139 = tpu.memref_slice %arg14[%add3A_111, %dma_start3A_138] : memref<262144x64xf32, #tpu.memory_space<hbm>> -> memref<128x64xf32, #tpu.memory_space<hbm>>
        tpu.enqueue_dma source(%arg24 : memref<128x64xf32, #tpu.memory_space<vmem>>) target(%dma_start3A_139 : memref<128x64xf32, #tpu.memory_space<hbm>>) target_semaphore(%run_scoped3A : memref<!tpu.dma_semaphore, #tpu.memory_space<semaphore_mem>>)
        %dma_wait3A_140 = arith.constant 0 : i32
        %dma_wait3A_141 = tpu.memref_slice %arg14[%add3A_111, %dma_wait3A_140] : memref<262144x64xf32, #tpu.memory_space<hbm>> -> memref<128x64xf32, #tpu.memory_space<hbm>>
        %dma_wait3A_142 = arith.constant 0 : i32
        %dma_wait3A_143 = tpu.memref_slice %arg14[%add3A_111, %dma_wait3A_142] : memref<262144x64xf32, #tpu.memory_space<hbm>> -> memref<128x64xf32, #tpu.memory_space<hbm>>
        tpu.wait_dma2 semaphore(%run_scoped3A : memref<!tpu.dma_semaphore, #tpu.memory_space<semaphore_mem>>) src(%arg24 : memref<128x64xf32, #tpu.memory_space<vmem>>) dst(%dma_wait3A_143 : memref<128x64xf32, #tpu.memory_space<hbm>>)
        tpu.yield
      }) : () -> ()
      "tpu.region"() ({
        %run_scoped3A = tpu.sem_alloc : memref<!tpu.dma_semaphore, #tpu.memory_space<semaphore_mem>>
        %dma_start3A_136 = arith.constant 0 : i32
        %dma_start3A_137 = tpu.memref_slice %arg10[%add3A_111, %dma_start3A_136] : memref<262144x16xf32, #tpu.memory_space<hbm>> -> memref<128x16xf32, #tpu.memory_space<hbm>>
        %dma_start3A_138 = arith.constant 0 : i32
        %dma_start3A_139 = tpu.memref_slice %arg10[%add3A_111, %dma_start3A_138] : memref<262144x16xf32, #tpu.memory_space<hbm>> -> memref<128x16xf32, #tpu.memory_space<hbm>>
        tpu.enqueue_dma source(%arg26 : memref<128x16xf32, #tpu.memory_space<vmem>>) target(%dma_start3A_139 : memref<128x16xf32, #tpu.memory_space<hbm>>) target_semaphore(%run_scoped3A : memref<!tpu.dma_semaphore, #tpu.memory_space<semaphore_mem>>)
        %dma_wait3A_140 = arith.constant 0 : i32
        %dma_wait3A_141 = tpu.memref_slice %arg10[%add3A_111, %dma_wait3A_140] : memref<262144x16xf32, #tpu.memory_space<hbm>> -> memref<128x16xf32, #tpu.memory_space<hbm>>
        %dma_wait3A_142 = arith.constant 0 : i32
        %dma_wait3A_143 = tpu.memref_slice %arg10[%add3A_111, %dma_wait3A_142] : memref<262144x16xf32, #tpu.memory_space<hbm>> -> memref<128x16xf32, #tpu.memory_space<hbm>>
        tpu.wait_dma2 semaphore(%run_scoped3A : memref<!tpu.dma_semaphore, #tpu.memory_space<semaphore_mem>>) src(%arg26 : memref<128x16xf32, #tpu.memory_space<vmem>>) dst(%dma_wait3A_143 : memref<128x16xf32, #tpu.memory_space<hbm>>)
        tpu.yield
      }) : () -> ()
      %lt3A = arith.constant 31 : i32
      %lt3A_112 = arith.cmpi slt, %scan3A_49, %lt3A : i32
      %convert_element_type3A = arith.extui %lt3A_112 : i1 to i32
      %cond3A = arith.constant 0 : i32
      %cond3A_113 = arith.cmpi ne, %convert_element_type3A, %cond3A : i32
      scf.if %cond3A_113 {
        %add3A_136 = arith.constant 1 : i32
        %add3A_137 = arith.addi %add3A_56, %add3A_136 : i32
        %mul3A_138 = arith.constant 128 : i32
        %mul3A_139 = arith.muli %add3A_137, %mul3A_138 : i32
        %dma_start3A_140 = tpu.memref_slice %arg15[%mul3A_139] : memref<8192xi32, #tpu.memory_space<vmem>> -> memref<128xi32, #tpu.memory_space<vmem>>
        %dma_start3A_141 = arith.constant 0 : i32
        %dma_start3A_142 = arith.constant 0 : i32
        %dma_start3A_143 = tpu.memref_slice %arg2[%dma_start3A_141, %dma_start3A_142] : memref<524288x64xf32, #tpu.memory_space<hbm>> -> memref<524288x64xf32, #tpu.memory_space<hbm>>
        tpu.enqueue_indirect_dma source(%dma_start3A_143 : memref<524288x64xf32, #tpu.memory_space<hbm>>) target(%arg22 : memref<128x64xf32, #tpu.memory_space<vmem>>) offsets(%dma_start3A_140 : memref<128xi32, #tpu.memory_space<vmem>>) semaphore(%arg30 : memref<!tpu.dma_semaphore, #tpu.memory_space<semaphore_mem>>)
        %add3A_144 = arith.constant 1 : i32
        %add3A_145 = arith.addi %add3A_56, %add3A_144 : i32
        %mul3A_146 = arith.constant 128 : i32
        %mul3A_147 = arith.muli %add3A_145, %mul3A_146 : i32
        %dma_start3A_148 = tpu.memref_slice %arg15[%mul3A_147] : memref<8192xi32, #tpu.memory_space<vmem>> -> memref<128xi32, #tpu.memory_space<vmem>>
        %dma_start3A_149 = arith.constant 0 : i32
        %dma_start3A_150 = arith.constant 0 : i32
        %dma_start3A_151 = tpu.memref_slice %arg3[%dma_start3A_149, %dma_start3A_150] : memref<524288x64xf32, #tpu.memory_space<hbm>> -> memref<524288x64xf32, #tpu.memory_space<hbm>>
        tpu.enqueue_indirect_dma source(%dma_start3A_151 : memref<524288x64xf32, #tpu.memory_space<hbm>>) target(%arg24 : memref<128x64xf32, #tpu.memory_space<vmem>>) offsets(%dma_start3A_148 : memref<128xi32, #tpu.memory_space<vmem>>) semaphore(%arg30 : memref<!tpu.dma_semaphore, #tpu.memory_space<semaphore_mem>>)
        %add3A_152 = arith.constant 1 : i32
        %add3A_153 = arith.addi %add3A_56, %add3A_152 : i32
        %mul3A_154 = arith.constant 128 : i32
        %mul3A_155 = arith.muli %add3A_153, %mul3A_154 : i32
        %dma_start3A_156 = tpu.memref_slice %arg15[%mul3A_155] : memref<8192xi32, #tpu.memory_space<vmem>> -> memref<128xi32, #tpu.memory_space<vmem>>
        %dma_start3A_157 = arith.constant 0 : i32
        %dma_start3A_158 = arith.constant 0 : i32
        %dma_start3A_159 = tpu.memref_slice %arg4[%dma_start3A_157, %dma_start3A_158] : memref<524288x16xf32, #tpu.memory_space<hbm>> -> memref<524288x16xf32, #tpu.memory_space<hbm>>
        tpu.enqueue_indirect_dma source(%dma_start3A_159 : memref<524288x16xf32, #tpu.memory_space<hbm>>) target(%arg26 : memref<128x16xf32, #tpu.memory_space<vmem>>) offsets(%dma_start3A_156 : memref<128xi32, #tpu.memory_space<vmem>>) semaphore(%arg30 : memref<!tpu.dma_semaphore, #tpu.memory_space<semaphore_mem>>)
      } else {
      }
      %mul3A_114 = arith.constant 128 : i32
      %mul3A_115 = arith.muli %add3A_56, %mul3A_114 : i32
      %dma_wait3A_116 = tpu.memref_slice %arg15[%mul3A_115] : memref<8192xi32, #tpu.memory_space<vmem>> -> memref<128xi32, #tpu.memory_space<vmem>>
      %dma_wait3A_117 = arith.constant 0 : i32
      %dma_wait3A_118 = arith.constant 0 : i32
      %dma_wait3A_119 = tpu.memref_slice %arg2[%dma_wait3A_117, %dma_wait3A_118] : memref<524288x64xf32, #tpu.memory_space<hbm>> -> memref<524288x64xf32, #tpu.memory_space<hbm>>
      tpu.wait_indirect_dma semaphore(%arg31 : memref<!tpu.dma_semaphore, #tpu.memory_space<semaphore_mem>>) src(%dma_wait3A_119 : memref<524288x64xf32, #tpu.memory_space<hbm>>) dst(%arg23 : memref<128x64xf32, #tpu.memory_space<vmem>>)
      %mul3A_120 = arith.constant 128 : i32
      %mul3A_121 = arith.muli %add3A_56, %mul3A_120 : i32
      %dma_wait3A_122 = tpu.memref_slice %arg15[%mul3A_121] : memref<8192xi32, #tpu.memory_space<vmem>> -> memref<128xi32, #tpu.memory_space<vmem>>
      %dma_wait3A_123 = arith.constant 0 : i32
      %dma_wait3A_124 = arith.constant 0 : i32
      %dma_wait3A_125 = tpu.memref_slice %arg3[%dma_wait3A_123, %dma_wait3A_124] : memref<524288x64xf32, #tpu.memory_space<hbm>> -> memref<524288x64xf32, #tpu.memory_space<hbm>>
      tpu.wait_indirect_dma semaphore(%arg31 : memref<!tpu.dma_semaphore, #tpu.memory_space<semaphore_mem>>) src(%dma_wait3A_125 : memref<524288x64xf32, #tpu.memory_space<hbm>>) dst(%arg25 : memref<128x64xf32, #tpu.memory_space<vmem>>)
      %mul3A_126 = arith.constant 128 : i32
      %mul3A_127 = arith.muli %add3A_56, %mul3A_126 : i32
      %dma_wait3A_128 = tpu.memref_slice %arg15[%mul3A_127] : memref<8192xi32, #tpu.memory_space<vmem>> -> memref<128xi32, #tpu.memory_space<vmem>>
      %dma_wait3A_129 = arith.constant 0 : i32
      %dma_wait3A_130 = arith.constant 0 : i32
      %dma_wait3A_131 = tpu.memref_slice %arg4[%dma_wait3A_129, %dma_wait3A_130] : memref<524288x16xf32, #tpu.memory_space<hbm>> -> memref<524288x16xf32, #tpu.memory_space<hbm>>
      tpu.wait_indirect_dma semaphore(%arg31 : memref<!tpu.dma_semaphore, #tpu.memory_space<semaphore_mem>>) src(%dma_wait3A_131 : memref<524288x16xf32, #tpu.memory_space<hbm>>) dst(%arg27 : memref<128x16xf32, #tpu.memory_space<vmem>>)
      %mul3A_132 = arith.constant 128 : i32
      %mul3A_133 = arith.muli %add3A_56, %mul3A_132 : i32
      %add3A_134 = arith.addi %mul3A_2, %mul3A_133 : i32
      "tpu.region"() ({
        %run_scoped3A = tpu.sem_alloc : memref<!tpu.dma_semaphore, #tpu.memory_space<semaphore_mem>>
        %dma_start3A_136 = arith.constant 0 : i32
        %dma_start3A_137 = tpu.memref_slice %arg9[%add3A_134, %dma_start3A_136] : memref<262144x64xf32, #tpu.memory_space<hbm>> -> memref<128x64xf32, #tpu.memory_space<hbm>>
        %dma_start3A_138 = arith.constant 0 : i32
        %dma_start3A_139 = tpu.memref_slice %arg9[%add3A_134, %dma_start3A_138] : memref<262144x64xf32, #tpu.memory_space<hbm>> -> memref<128x64xf32, #tpu.memory_space<hbm>>
        tpu.enqueue_dma source(%arg23 : memref<128x64xf32, #tpu.memory_space<vmem>>) target(%dma_start3A_139 : memref<128x64xf32, #tpu.memory_space<hbm>>) target_semaphore(%run_scoped3A : memref<!tpu.dma_semaphore, #tpu.memory_space<semaphore_mem>>)
        %dma_wait3A_140 = arith.constant 0 : i32
        %dma_wait3A_141 = tpu.memref_slice %arg9[%add3A_134, %dma_wait3A_140] : memref<262144x64xf32, #tpu.memory_space<hbm>> -> memref<128x64xf32, #tpu.memory_space<hbm>>
        %dma_wait3A_142 = arith.constant 0 : i32
        %dma_wait3A_143 = tpu.memref_slice %arg9[%add3A_134, %dma_wait3A_142] : memref<262144x64xf32, #tpu.memory_space<hbm>> -> memref<128x64xf32, #tpu.memory_space<hbm>>
        tpu.wait_dma2 semaphore(%run_scoped3A : memref<!tpu.dma_semaphore, #tpu.memory_space<semaphore_mem>>) src(%arg23 : memref<128x64xf32, #tpu.memory_space<vmem>>) dst(%dma_wait3A_143 : memref<128x64xf32, #tpu.memory_space<hbm>>)
        tpu.yield
      }) : () -> ()
      "tpu.region"() ({
        %run_scoped3A = tpu.sem_alloc : memref<!tpu.dma_semaphore, #tpu.memory_space<semaphore_mem>>
        %dma_start3A_136 = arith.constant 0 : i32
        %dma_start3A_137 = tpu.memref_slice %arg14[%add3A_134, %dma_start3A_136] : memref<262144x64xf32, #tpu.memory_space<hbm>> -> memref<128x64xf32, #tpu.memory_space<hbm>>
        %dma_start3A_138 = arith.constant 0 : i32
        %dma_start3A_139 = tpu.memref_slice %arg14[%add3A_134, %dma_start3A_138] : memref<262144x64xf32, #tpu.memory_space<hbm>> -> memref<128x64xf32, #tpu.memory_space<hbm>>
        tpu.enqueue_dma source(%arg25 : memref<128x64xf32, #tpu.memory_space<vmem>>) target(%dma_start3A_139 : memref<128x64xf32, #tpu.memory_space<hbm>>) target_semaphore(%run_scoped3A : memref<!tpu.dma_semaphore, #tpu.memory_space<semaphore_mem>>)
        %dma_wait3A_140 = arith.constant 0 : i32
        %dma_wait3A_141 = tpu.memref_slice %arg14[%add3A_134, %dma_wait3A_140] : memref<262144x64xf32, #tpu.memory_space<hbm>> -> memref<128x64xf32, #tpu.memory_space<hbm>>
        %dma_wait3A_142 = arith.constant 0 : i32
        %dma_wait3A_143 = tpu.memref_slice %arg14[%add3A_134, %dma_wait3A_142] : memref<262144x64xf32, #tpu.memory_space<hbm>> -> memref<128x64xf32, #tpu.memory_space<hbm>>
        tpu.wait_dma2 semaphore(%run_scoped3A : memref<!tpu.dma_semaphore, #tpu.memory_space<semaphore_mem>>) src(%arg25 : memref<128x64xf32, #tpu.memory_space<vmem>>) dst(%dma_wait3A_143 : memref<128x64xf32, #tpu.memory_space<hbm>>)
        tpu.yield
      }) : () -> ()
      "tpu.region"() ({
        %run_scoped3A = tpu.sem_alloc : memref<!tpu.dma_semaphore, #tpu.memory_space<semaphore_mem>>
        %dma_start3A_136 = arith.constant 0 : i32
        %dma_start3A_137 = tpu.memref_slice %arg10[%add3A_134, %dma_start3A_136] : memref<262144x16xf32, #tpu.memory_space<hbm>> -> memref<128x16xf32, #tpu.memory_space<hbm>>
        %dma_start3A_138 = arith.constant 0 : i32
        %dma_start3A_139 = tpu.memref_slice %arg10[%add3A_134, %dma_start3A_138] : memref<262144x16xf32, #tpu.memory_space<hbm>> -> memref<128x16xf32, #tpu.memory_space<hbm>>
        tpu.enqueue_dma source(%arg27 : memref<128x16xf32, #tpu.memory_space<vmem>>) target(%dma_start3A_139 : memref<128x16xf32, #tpu.memory_space<hbm>>) target_semaphore(%run_scoped3A : memref<!tpu.dma_semaphore, #tpu.memory_space<semaphore_mem>>)
        %dma_wait3A_140 = arith.constant 0 : i32
        %dma_wait3A_141 = tpu.memref_slice %arg10[%add3A_134, %dma_wait3A_140] : memref<262144x16xf32, #tpu.memory_space<hbm>> -> memref<128x16xf32, #tpu.memory_space<hbm>>
        %dma_wait3A_142 = arith.constant 0 : i32
        %dma_wait3A_143 = tpu.memref_slice %arg10[%add3A_134, %dma_wait3A_142] : memref<262144x16xf32, #tpu.memory_space<hbm>> -> memref<128x16xf32, #tpu.memory_space<hbm>>
        tpu.wait_dma2 semaphore(%run_scoped3A : memref<!tpu.dma_semaphore, #tpu.memory_space<semaphore_mem>>) src(%arg27 : memref<128x16xf32, #tpu.memory_space<vmem>>) dst(%dma_wait3A_143 : memref<128x16xf32, #tpu.memory_space<hbm>>)
        tpu.yield
      }) : () -> ()
      %scan3A_135 = arith.constant 0 : i32
      scf.yield %scan3A_135 : i32
    }
    %scan3A_48 = arith.constant 32 : i32
    "tpu.region"() ({
      %run_scoped3A = tpu.sem_alloc : memref<!tpu.dma_semaphore, #tpu.memory_space<semaphore_mem>>
      %dma_start3A_49 = tpu.memref_slice %arg11[%mul3A_2] : memref<262144xf32, #tpu.memory_space<hbm>> -> memref<8192xf32, #tpu.memory_space<hbm>>
      %dma_start3A_50 = tpu.memref_slice %arg11[%mul3A_2] : memref<262144xf32, #tpu.memory_space<hbm>> -> memref<8192xf32, #tpu.memory_space<hbm>>
      tpu.enqueue_dma source(%arg19 : memref<8192xf32, #tpu.memory_space<vmem>>) target(%dma_start3A_50 : memref<8192xf32, #tpu.memory_space<hbm>>) target_semaphore(%run_scoped3A : memref<!tpu.dma_semaphore, #tpu.memory_space<semaphore_mem>>)
      %dma_wait3A_51 = tpu.memref_slice %arg11[%mul3A_2] : memref<262144xf32, #tpu.memory_space<hbm>> -> memref<8192xf32, #tpu.memory_space<hbm>>
      %dma_wait3A_52 = tpu.memref_slice %arg11[%mul3A_2] : memref<262144xf32, #tpu.memory_space<hbm>> -> memref<8192xf32, #tpu.memory_space<hbm>>
      tpu.wait_dma2 semaphore(%run_scoped3A : memref<!tpu.dma_semaphore, #tpu.memory_space<semaphore_mem>>) src(%arg19 : memref<8192xf32, #tpu.memory_space<vmem>>) dst(%dma_wait3A_52 : memref<8192xf32, #tpu.memory_space<hbm>>)
      tpu.yield
    }) : () -> ()
    "tpu.region"() ({
      %run_scoped3A = tpu.sem_alloc : memref<!tpu.dma_semaphore, #tpu.memory_space<semaphore_mem>>
      %dma_start3A_49 = tpu.memref_slice %arg12[%mul3A_2] : memref<262144xi32, #tpu.memory_space<hbm>> -> memref<8192xi32, #tpu.memory_space<hbm>>
      %dma_start3A_50 = tpu.memref_slice %arg12[%mul3A_2] : memref<262144xi32, #tpu.memory_space<hbm>> -> memref<8192xi32, #tpu.memory_space<hbm>>
      tpu.enqueue_dma source(%arg20 : memref<8192xi32, #tpu.memory_space<vmem>>) target(%dma_start3A_50 : memref<8192xi32, #tpu.memory_space<hbm>>) target_semaphore(%run_scoped3A : memref<!tpu.dma_semaphore, #tpu.memory_space<semaphore_mem>>)
      %dma_wait3A_51 = tpu.memref_slice %arg12[%mul3A_2] : memref<262144xi32, #tpu.memory_space<hbm>> -> memref<8192xi32, #tpu.memory_space<hbm>>
      %dma_wait3A_52 = tpu.memref_slice %arg12[%mul3A_2] : memref<262144xi32, #tpu.memory_space<hbm>> -> memref<8192xi32, #tpu.memory_space<hbm>>
      tpu.wait_dma2 semaphore(%run_scoped3A : memref<!tpu.dma_semaphore, #tpu.memory_space<semaphore_mem>>) src(%arg20 : memref<8192xi32, #tpu.memory_space<vmem>>) dst(%dma_wait3A_52 : memref<8192xi32, #tpu.memory_space<hbm>>)
      tpu.yield
    }) : () -> ()
    "tpu.region"() ({
      %run_scoped3A = tpu.sem_alloc : memref<!tpu.dma_semaphore, #tpu.memory_space<semaphore_mem>>
      %dma_start3A_49 = tpu.memref_slice %arg13[%mul3A_2] : memref<262144xi32, #tpu.memory_space<hbm>> -> memref<8192xi32, #tpu.memory_space<hbm>>
      %dma_start3A_50 = tpu.memref_slice %arg13[%mul3A_2] : memref<262144xi32, #tpu.memory_space<hbm>> -> memref<8192xi32, #tpu.memory_space<hbm>>
      tpu.enqueue_dma source(%arg21 : memref<8192xi32, #tpu.memory_space<vmem>>) target(%dma_start3A_50 : memref<8192xi32, #tpu.memory_space<hbm>>) target_semaphore(%run_scoped3A : memref<!tpu.dma_semaphore, #tpu.memory_space<semaphore_mem>>)
      %dma_wait3A_51 = tpu.memref_slice %arg13[%mul3A_2] : memref<262144xi32, #tpu.memory_space<hbm>> -> memref<8192xi32, #tpu.memory_space<hbm>>
      %dma_wait3A_52 = tpu.memref_slice %arg13[%mul3A_2] : memref<262144xi32, #tpu.memory_space<hbm>> -> memref<8192xi32, #tpu.memory_space<hbm>>
      tpu.wait_dma2 semaphore(%run_scoped3A : memref<!tpu.dma_semaphore, #tpu.memory_space<semaphore_mem>>) src(%arg21 : memref<8192xi32, #tpu.memory_space<vmem>>) dst(%dma_wait3A_52 : memref<8192xi32, #tpu.memory_space<hbm>>)
      tpu.yield
    }) : () -> ()
    return
  }
}

</mosaic_0001>

<sc_bundles>
// kernel: kernel.3.cloned.1.call-start
scs
__scs_entry_jumppad:
0x0: {  	(pc) =	sbr.rel $0x88, $3  }
0x1: {  	(tag) =	ssettag $0x0;
	lr =	simm.s32 $0x1  }
0x2: {  	[smem:$0x3F9A] =	sst lr;
	_ =	strace $0xD0000000  }
0x3: {  	_ = 	snop  }
0x4: {  	_ = 	snop  }
0x5: {  	_ = 	snop  }
0x6: {  	_ = 	snop  }
0x7: {  	_ = 	snop  }
__scs_overlays_trampoline_lowered:
0x8: {  	[smem:$0x3FA9] =	sst s0  }
0x9: {  	[smem:$0x3FAA] =	sst s1  }
0xa: {  	[smem:$0x3FAB] =	sst s2  }
0xb: {  	[smem:$0x3FAC] =	sst s3  }
0xc: {  	[smem:$0x3FAD] =	sst s4  }
0xd: {  	[smem:$0x3FAE] =	sst s5  }
0xe: {  	[smem:$0x3FAF] =	sst s6  }
0xf: {  	[smem:$0x3FB0] =	sst s7  }
0x10: {  	[smem:$0x3FB1] =	sst s8  }
0x11: {  	[smem:$0x3FB2] =	sst s9;
	s0 =	simm.s32 @!p0 $0x0  }
0x12: {  	s1 =	sld [smem:$0x3F98];
	s0 =	simm.s32 @p0 $0x1  }
0x13: {  	[smem:$0x3FB3] =	sst s0;
	s0 =	simm.s32 @!p1 $0x0  }
0x14: {  	s2 =	sld [smem:$0x3F97];
	s0 =	simm.s32 @p1 $0x1  }
0x15: {  	[smem:$0x3FB4] =	sst s0;
	s0 =	simm.s32 @!p2 $0x0  }
0x16: {  	s3 =	sld [smem:$0x3FDB];
	s0 =	simm.s32 @p2 $0x1  }
0x17: {  	s4 =	simm.s32 $0x1BF5;
	[smem:$0x3FB6] =	sst s0  }
0x18: {  	s0 =	sld [smem:$0x3F99];
	_ =	swait.ge [sflag:s4], $0x0  }
0x19: {  	s7 =	sld [smem:$0x3F9A]  }
0x1a: {  	s8 =	sadd.s32 $0xFFFFE003, lr  }
0x1b: {  	s9 =	sadd.s32 $0xFFFFFEF7, lr;
	s5 =	simm.s32 $0xFFFFFFFF;
	p2 =	slt.u32 s8, $0xFFFFF086  }
0x1c: {  	p1 =	slt.u32 s9, $0xF7A;
	s5 =	simm.s32 @!p2 $0x0  }
0x1d: {  	s5 =	simm.s32 @p1 $0x1;
	p0 =	seq.s32 s7, s2  }
0x1e: {  	s7 =	smul.u32 @!p0 $0xF7A, s2;
	p2 =	seq.s32 @!p0 s5, $0x0  }
0x1f: {  	s9 =	smul.u32 $0xF7A, s1;
	s8 =	simm.s32 @!p0 $0x1BF5;
	p2 =	por !p2, p0  }
0x20: {  	[sflag:s8] =	ssyncset.s32 @!p0 $0xFFFFF086;
	s6 =	sadd.s32 @!p0 s3, s7;
	s7 =	simm.s32 @!p0 $0x108  }
0x21: {  	s3 =	sadd.s32 s3, s9;
	s6 =	sadd.s32 @!p0 $0x88, s6;
	s7 =	simm.s32 @p2 $0x1082  }
0x22: {  	[simem:s7], [sflag:s8] =	dma.local @!p0 [hbm:s6], $0xF7A  }
0x23: {  	s9 =	sor.u32 $0xD0000000, s2;
	s6 =	simm.s32 $0x108;
	_ =	swait.ge @!p0 [sflag:s8], $0x0  }
0x24: {  	s3 =	sadd.s32 $0x88, s3;
	s6 =	simm.s32 @!p1 $0x1082;
	[sflag:s4] =	ssyncset.s32 $0xFFFFF086  }
0x25: {  	[simem:s6], [sflag:s4] =	dma.local [hbm:s3], $0xF7A  }
0x26: {  	[smem:$0x3F9A] =	sst s1;
	(tag) =	ssettag s2;
	_ =	strace s9  }
0x27: {  	s1 =	sld [smem:$0x3FAA]  }
0x28: {  	s2 =	sld [smem:$0x3FAB]  }
0x29: {  	s4 =	sld [smem:$0x3FAD]  }
0x2a: {  	p0 =	seq.s32 s5, $0x0;
	s5 =	sld [smem:$0x3FAE]  }
0x2b: {  	s6 =	sld [smem:$0x3FAF]  }
0x2c: {  	s7 =	sld [smem:$0x3FB0]  }
0x2d: {  	s3 =	simm.s32 $0x108;
	s8 =	sld [smem:$0x3FB1]  }
0x2e: {  	s3 =	simm.s32 @!p0 $0x1082;
	s9 =	sld [smem:$0x3FB2]  }
0x2f: {  	lr =	sadd.s32 s0, s3;
	s0 =	sld [smem:$0x3FA9]  }
0x30: {  	s3 =	sld [smem:$0x3FAC]  }
0x31: {  	[smem:$0x3FB5] =	sst s10  }
0x32: {  	s10 =	sld [smem:$0x3FB3];
	_ =	sdelay $0x3  }
0x33: {  	p0 =	seq.s32 s10, $0x1;
	s10 =	sld [smem:$0x3FB5];
	_ =	sdelay $0x3  }
0x34: {  	[smem:$0x3FB5] =	sst s10  }
0x35: {  	s10 =	sld [smem:$0x3FB4];
	_ =	sdelay $0x3  }
0x36: {  	p1 =	seq.s32 s10, $0x1;
	s10 =	sld [smem:$0x3FB5];
	_ =	sdelay $0x3  }
0x37: {  	[smem:$0x3FB5] =	sst s10  }
0x38: {  	s10 =	sld [smem:$0x3FB6]  }
0x39: {  	_ = 	snop;
	(pc) =	sbr.ind lr, $3  }
0x3a: {  	_ = 	snop  }
0x3b: {  	_ = 	snop  }
0x3c: {  	p2 =	seq.s32 s10, $0x1;
	s10 =	sld [smem:$0x3FB5]  }
0x3d: {  	_ =	shalt  }
0x3e: {  	_ =	shalt  }
0x3f: {  	_ =	shalt  }
0x40: {  	_ =	shalt  }
0x41: {  	_ =	shalt  }
0x42: {  	_ =	shalt  }
0x43: {  	_ =	shalt  }
0x44: {  	_ =	shalt  }
0x45: {  	_ =	shalt  }
0x46: {  	_ =	shalt  }
0x47: {  	_ =	shalt  }
0x48: {  	_ =	shalt  }
0x49: {  	_ =	shalt  }
0x4a: {  	_ =	shalt  }
0x4b: {  	_ =	shalt  }
0x4c: {  	_ =	shalt  }
0x4d: {  	_ =	shalt  }
0x4e: {  	_ =	shalt  }
0x4f: {  	_ =	shalt  }
0x50: {  	_ =	shalt  }
0x51: {  	_ =	shalt  }
0x52: {  	_ =	shalt  }
0x53: {  	_ =	shalt  }
0x54: {  	_ =	shalt  }
0x55: {  	_ =	shalt  }
0x56: {  	_ =	shalt  }
0x57: {  	_ =	shalt  }
0x58: {  	_ =	shalt  }
0x59: {  	_ =	shalt  }
0x5a: {  	_ =	shalt  }
0x5b: {  	_ =	shalt  }
0x5c: {  	_ =	shalt  }
0x5d: {  	_ =	shalt  }
0x5e: {  	_ =	shalt  }
0x5f: {  	_ =	shalt  }
0x60: {  	_ =	shalt  }
0x61: {  	_ =	shalt  }
0x62: {  	_ =	shalt  }
0x63: {  	_ =	shalt  }
0x64: {  	_ =	shalt  }
0x65: {  	_ =	shalt  }
0x66: {  	_ =	shalt  }
0x67: {  	_ =	shalt  }
0x68: {  	_ =	shalt  }
0x69: {  	_ =	shalt  }
0x6a: {  	_ =	shalt  }
0x6b: {  	_ =	shalt  }
0x6c: {  	_ =	shalt  }
0x6d: {  	_ =	shalt  }
0x6e: {  	_ =	shalt  }
0x6f: {  	_ =	shalt  }
0x70: {  	_ =	shalt  }
0x71: {  	_ =	shalt  }
0x72: {  	_ =	shalt  }
0x73: {  	_ =	shalt  }
0x74: {  	_ =	shalt  }
0x75: {  	_ =	shalt  }
0x76: {  	_ =	shalt  }
0x77: {  	_ =	shalt  }
0x78: {  	_ =	shalt  }
0x79: {  	_ =	shalt  }
0x7a: {  	_ =	shalt  }
0x7b: {  	_ =	shalt  }
0x7c: {  	_ =	shalt  }
0x7d: {  	_ =	shalt  }
0x7e: {  	_ =	shalt  }
0x7f: {  	_ =	shalt  }
0x80: {  	_ =	shalt  }
0x81: {  	_ =	shalt  }
0x82: {  	_ =	shalt  }
0x83: {  	_ =	shalt  }
0x84: {  	_ =	shalt  }
0x85: {  	_ =	shalt  }
0x86: {  	_ =	shalt  }
0x87: {  	_ =	shalt  }
.Lfunc_end0:
.L_simem_size_0:
called_computation.2_lowered:
.L_overlay_start_0:
0x88: {  	s2 =	sld [smem:$0x3FD9]  }
0x89: {  	s3 =	sld [smem:$0x3FFE];
	_ =	sdelay $0x1  }
0x8a: {  	s1 =	srdreg.scid  }
0x8b: {  	s0 =	sand.u32 $0x1, s1  }
0x8c: {  	s14 =	sshll.u32 s0, $0xA;
	s2 =	sadd.s32 s3, s2  }
0x8d: {  	s2 =	sadd.s32 s2, s14  }
0x8e: {  	[smem:$0x3FC1] =	sst s2  }
0x8f: {  	_ = 	snop  }
0x90: {  	s2 =	sld [smem:$0x3FD0];
	_ =	sdelay $0x2  }
0x91: {  	s15 =	simm.s32 $0xB;
	s4 =	simm.s32 $0x10  }
0x92: {  	[smem:s4], [sflag:s15] =	dma.local [hbm:s2], $0x1  }
0x93: {  	_ =	swait.eq [sflag:s15], $0x1  }
0x94: {  	s16 =	sld [smem:$0x10]  }
0x95: {  	s17 =	sld [smem:$0x11]  }
0x96: {  	s5 =	sld [smem:$0x12]  }
0x97: {  	s6 =	sld [smem:$0x13]  }
0x98: {  	s7 =	sld [smem:$0x14];
	[sflag:s15] =	ssyncset.done $0x0  }
0x99: {  	s8 =	sld [smem:$0x15];
	[sflag:s15] =	ssyncadd.s32 $0xFFFFFFFF  }
0x9a: {  	s18 =	sld [smem:$0x16];
	(tm) =	ssettm $0x1  }
0x9b: {  	s9 =	sld [smem:$0x3FFB];
	_ =	sdelay $0x3  }
0x9c: {  	_ =	strace s9  }
0x9d: {  	s9 =	sld [smem:$0x3FFC];
	_ =	sdelay $0x3  }
0x9e: {  	_ =	strace s9  }
0x9f: {  	s9 =	sld [smem:$0x3FFD];
	_ =	sdelay $0x3  }
0xa0: {  	_ =	strace s9  }
0xa1: {  	_ =	strace $0x8FFFFFFF  }
0xa2: {  	s19 =	sld [smem:$0x3FDB];
	_ =	sdelay $0x1  }
0xa3: {  	s10 =	simm.s32 $_scs_section_size  }
0xa4: {  	s11 =	simm.s32 $_size__tile_overlayer_lowered;
	s12 =	simm.s32 $_tile_overlayer_lowered  }
0xa5: {  	s22 =	simm.s32 $0x1BFF;
	s21 =	sshll.u32 s12, $0x1;
	s9 =	sadd.s32 s10, s19  }
0xa6: {  	s13 =	simm.s32 $0x0;
	s20 =	sshll.u32 s11, $0x1;
	s11 =	sadd.s32 s21, s9  }
0xa7: {  	[timem:s13], [sflag:s22] =	dma.local [hbm:s11], s20  }
0xa8: {  	_ =	swait.ge [sflag:s22], s20  }
0xa9: {  	s10 =	ssub.s32 $0x0, s20;
	[sflag:s22] =	ssyncset.done $0x0  }
0xaa: {  	[sflag:s22] =	ssyncadd.s32 s10;
	_ =	sdelay $0x1  }
0xab: {  	s23 =	simm.s32 $0x1B8B  }
0xac: {  	_ =	swait.ge [sflag:s23], $0x1  }
0xad: {  	[sflag:s23] =	ssyncset.done $0x0  }
0xae: {  	s25 =	simm.s32 $0x1B8E;
	s24 =	sld [smem:$0x3FFE];
	[sflag:s23] =	ssyncadd.s32 $0xFFFFFFFF  }
0xaf: {  	s26 =	simm.s32 $execute0_lowered;
	[smem:$0x3FD2] =	sst s25  }
0xb0: {  	s11 =	sshll.u32 s26, $0x1;
	_ =	strace $0x80000046;
	[dreg:$0x1] =	wrdreg $0xFFFFFFFF  }
0xb1: {  	s28 =	simm.s32 $_size_execute0_lowered;
	s9 =	sadd.s32 s9, s11;
	[dreg:$0x0] =	wrdreg $0x0  }
0xb2: {  	s11 =	sshll.u32 s28, $0x1;
	[dreg:$0x2] =	wrdreg s9  }
0xb3: {  	[dreg:$0x3] =	wrdreg s11  }
0xb4: {  	[dreg:$0x4] =	wrdreg $0xC0  }
0xb5: {  	_ =	task [dreg:s13], $0x5FFFF  }
0xb6: {  	[dreg:$0x1] =	wrdreg $0xFFFFFFFF  }
0xb7: {  	[dreg:$0x0] =	wrdreg $0x60  }
0xb8: {  	[dreg:$0x2] =	wrdreg s24  }
0xb9: {  	[dreg:$0x3] =	wrdreg s18  }
0xba: {  	[dreg:$0x4] =	wrdreg s16  }
0xbb: {  	[dreg:$0x5] =	wrdreg s17  }
0xbc: {  	[dreg:$0x6] =	wrdreg s5  }
0xbd: {  	[dreg:$0x7] =	wrdreg s6  }
0xbe: {  	[dreg:$0x8] =	wrdreg s7  }
0xbf: {  	[dreg:$0x9] =	wrdreg s8  }
0xc0: {  	[dreg:$0xa] =	wrdreg $0x9  }
0xc1: {  	_ =	task.clear_ibuf [dreg:s13], $0xBFFFF;
	_ =	strace $0x90000046  }
0xc2: {  	s29 =	simm.s32 $0x9;
	_ =	strace $0x80000048  }
0xc3: {  	_ =	swait.ge [sflag:s29], $0x1  }
0xc4: {  	[sflag:s29] =	ssyncadd.s32 $0xFFFFFFFF  }
0xc5: {  	_ =	strace $0x90000048  }
0xc6: {  	_ =	sfence  }
0xc7: {  	s30 =	sld [smem:$0x0];
	_ =	sdelay $0x2  }
0xc8: {  	s31 =	sshll.u32 s1, $0xD;
	s1 =	sshrl.u32 s1, $0x2  }
0xc9: {  	s3 =	sand.u32 $0x4000, s31;
	s1 =	sadd.s32 s1, s30  }
0xca: {  	s0 =	sor.u32 s3, s0;
	s1 =	sshll.u32 s1, $0x11  }
0xcb: {  	s0 =	sor.u32 s1, s0  }
0xcc: {  	s0 =	sadd.s32 $0x8F2B, s0  }
0xcd: {  	[sflag:s0] =	ssyncadd.remote.s32 $0x1  }
0xce: {  	_ =	sfence.sel $0xFFFF  }
0xcf: {  	[dreg:$0x0] =	wrdreg $0xFFFFFFFF;
	(pc) =	sbr.abs _section_cstart, $3  }
0xd0: {  	[dreg:$0x1] =	wrdreg $0xFFFFFFFF  }
0xd1: {  	_ =	task.clear_ibuf [dreg:s13], $0x2FFFF;
	_ =	strace $0x9FFFFFFF  }
0xd2: {  	(tm) =	ssettm $0x7FFFFFFF  }
0xd3: {  	_ =	shalt  }
tec
execute0_lowered:
.L_overlay_start_1:
0x0: {  	(tag) =	ssettag $0x1  }
0x1: {  	s0 =	rddreg [dreg:$0x0]  }
0x2: {  	s4 =	rddreg [dreg:$0x1]  }
0x3: {  	s1 =	rddreg [dreg:$0x2]  }
0x4: {  	s2 =	rddreg [dreg:$0x3]  }
0x5: {  	s11 =	rddreg [dreg:$0x4]  }
0x6: {  	s12 =	rddreg [dreg:$0x5]  }
0x7: {  	s13 =	rddreg [dreg:$0x6]  }
0x8: {  	s3 =	rddreg [dreg:$0x7]  }
0x9: {  	s5 =	simm.s32 $0x0;
	s6 =	srdreg.scid;
	s8 =	stileid.u32  }
0xa: {  	s19 =	simm.s32 $0x2000;
	s7 =	sand.u32 $0x1, s6;
	s8 =	sshll.u32 s8, $0x1  }
0xb: {  	s6 =	sadd.s32 $0xC01A00, s0;
	s14 =	sor.u32 s7, s8;
	s9 =	ssub.s32 $0x2, s7  }
0xc: {  	s7 =	sadd.s32 $0x801A00, s0;
	s10 =	sshll.u32 s14, $0xB;
	s15 =	sshrl.u32 s9, $0x1  }
0xd: {  	s8 =	sadd.s32 $0x1001A00, s0;
	s0 =	sadd.s32 s10, s0;
	s15 =	ssub.s32 s9, s15  }
0xe: {  	s9 =	sshll.u32 s14, $0xD;
	s10 =	sshll.u32 s14, $0xE;
	s14 =	sshll.u32 s14, $0xA  }
0xf: {  	s20 =	simm.s32 $0x6000;
	[smem:$0x7FF] =	sst s5;
	s4 =	sadd.s32 s4, s14  }
0x10: {  	_ =	strace $0x80000047;
	s21 =	sadd.s32 $0x21A00, s0;
	[dreg:$0x9] =	wrdreg s4  }
0x11: {  	s28 =	simm.s32 $0x1C000;
	s22 =	sadd.s32 $0x11A00, s0;
	[dreg:$0xa] =	wrdreg s21  }
0x12: {  	s29 =	simm.s32 $0x16000;
	s0 =	sadd.s32 $0x1A00, s0;
	[dreg:$0xb] =	wrdreg s22  }
0x13: {  	s30 =	simm.s32 $0x1A000;
	s23 =	sadd.s32 s11, s14;
	[dreg:$0xc] =	wrdreg s0  }
0x14: {  	s31 =	simm.s32 $0x1C800;
	s24 =	sadd.s32 s12, s14;
	[dreg:$0xd] =	wrdreg s23  }
0x15: {  	s25 =	sadd.s32 s13, s14;
	s26 =	smax.u32 s15, $0x1;
	[dreg:$0xe] =	wrdreg s24  }
0x16: {  	s11 =	simm.s32 $0x4;
	s13 =	simm.s32 $0x0;
	[dreg:$0xf] =	wrdreg s25  }
0x17: {  	[dreg:$0x10] =	wrdreg s26;
	s21 =	simm.s32 $0xA000;
	s24 =	simm.s32 $0x80  }
0x18: {  	v0 =	vmov s10;
	s26 =	simm.s32 $0x18000;
	s0 =	simm.s32 $0x3;
	s4 =	simm.s32 $0x5  }
.LBB2_1:
0x19: {  	[dreg:$0x11] =	wrdreg s13  }
0x1a: {  	s12 =	rddreg [dreg:$0x9]  }
0x1b: {  	[tilespmem:s5], [sflag:$0x1] =	stream.linear.gather [hbm4b:s12+s5], $0x2000, $0x38;
	[tilespmem:$0x1D000] =	vst v63  }
0x1c: {  	s18 =	rddreg [dreg:$0xa]  }
0x1d: {  	[tilespmem:s19], [sflag:$0x2] =	stream.linear.gather [hbm4b:s18+s5], $0x4000, $0x38;
	[tilespmem:$0x1D000] =	vst v63  }
0x1e: {  	s22 =	rddreg [dreg:$0xb]  }
0x1f: {  	[tilespmem:s20], [sflag:$0x2] =	stream.linear.gather [hbm4b:s22+s5], $0x4000, $0x38;
	[tilespmem:$0x1D000] =	vst v63  }
0x20: {  	s23 =	rddreg [dreg:$0xc];
	s25 =	simm.s32 $0x1  }
0x21: {  	[tilespmem:s21], [sflag:$0x2] =	stream.linear.gather [hbm4b:s23+s5], $0x4000, $0x38;
	[tilespmem:$0x1D000] =	vst v63  }
0x22: {  	_ =	swait.ge [sflag:s25], $0x2000  }
0x23: {  	[sflag:s25] =	ssyncset.done $0x0  }
0x24: {  	[sflag:s25] =	ssyncadd.s32 $0xFFFFE000  }
0x25: {  	s13 =	simm.s32 $0x20;
	s14 =	simm.s32 $0x0;
	s12 =	simm.s32 $0x0;
	v1 =	vld [tilespmem:s5+$0x0]  }
.LBB2_2:
0x26: {  	p0 =	sne.s32 s13, $0x3FE0;
	_ =	sdelay $0x1  }
.Ltmp0:
0x27: {  	s15 =	sand.u32 $0x3E00, s14;
	s14 =	smov.u32 s13;
	(pc) =	sbr.rel @p0 .LBB2_2-.Ltmp0, $4  }
0x28: {  	s15 =	sor.u32 s10, s15  }
0x29: {  	v1 =	vadd.s32 s15, v1  }
0x2a: {  	[tilespmem:s12+$0x0] =	vst v1;
	s12 =	sadd.s32 $0x10, s12  }
0x2b: {  	s13 =	sadd.s32 $0x20, s13;
	v1 =	vld [tilespmem:s12+$0x0]  }
0x2c: {  	_ =	sdelay $0x1  }
0x2d: {  	s13 =	sand.u32 $0x3E00, s14  }
0x2e: {  	s13 =	sor.u32 s10, s13  }
0x2f: {  	v1 =	vadd.s32 s13, v1  }
0x30: {  	s23 =	simm.s32 $0x2;
	[tilespmem:s12+$0x0] =	vst v1  }
0x31: {  	_ =	swait.ge [sflag:s23], $0x4000  }
0x32: {  	[sflag:s23] =	ssyncset.done $0x0  }
0x33: {  	[sflag:s23] =	ssyncadd.s32 $0xFFFFC000  }
0x34: {  	_ =	swait.ge [sflag:s23], $0x4000  }
0x35: {  	[sflag:s23] =	ssyncset.done $0x0  }
0x36: {  	[sflag:s23] =	ssyncadd.s32 $0xFFFFC000  }
0x37: {  	_ =	swait.ge [sflag:s23], $0x4000  }
0x38: {  	[sflag:s23] =	ssyncset.done $0x0  }
0x39: {  	s17 =	simm.s32 $0x0;
	s25 =	simm.s32 $0x14000;
	[sflag:s23] =	ssyncadd.s32 $0xFFFFC000  }
0x3a: {  	[tilespmem:s25], [sflag:$0x3] =	stream.indirect.gather [hbm4b:s6+s24], $0x40, s17, s24, $0xb8;
	[tilespmem:$0x1D000] =	vst v63  }
0x3b: {  	s14 =	simm.s32 $0x10000  }
0x3c: {  	[tilespmem:s26], [sflag:$0x3] =	stream.indirect.gather [hbm4b:s7+s24], $0x40, s17, s24, $0xb8;
	[tilespmem:$0x1D000] =	vst v63  }
0x3d: {  	s15 =	simm.s32 $0x12000;
	s16 =	simm.s32 $0x0;
	s13 =	simm.s32 $0xE000  }
0x3e: {  	[tilespmem:s28], [sflag:$0x3] =	stream.indirect.gather [hbm4b:s8+s24], $0x10, s17, s24, $0xb8;
	[tilespmem:$0x1D000] =	vst v63  }
.LBB2_4:
0x3f: {  	s22 =	sshll.u32 s17, $0x8  }
0x40: {  	s18 =	sor.u32 $0x80, s22  }
0x41: {  	v1 =	vmov s16;
	[tilespmem:s29], [sflag:$0x4] =	stream.indirect.gather [hbm4b:s6+s24], $0x40, s18, s24, $0xb8;
	[tilespmem:$0x1D000] =	vst v63  }
0x42: {  	_ = 	snop  }
0x43: {  	[tilespmem:s30], [sflag:$0x4] =	stream.indirect.gather [hbm4b:s7+s24], $0x40, s18, s24, $0xb8;
	[tilespmem:$0x1D000] =	vst v63  }
0x44: {  	s23 =	simm.s32 $0x0  }
0x45: {  	[tilespmem:s31], [sflag:$0x4] =	stream.indirect.gather [hbm4b:s8+s24], $0x10, s18, s24, $0xb8;
	[tilespmem:$0x1D000] =	vst v63  }
0x46: {  	v2 =	vld.idx.msk [tilespmem:v1+s23+$0x0 ss:$0x1], $0xffff;
	_ =	sdelay $0x4  }
0x47: {  	v3 =	vsub.s32 v2, v0  }
0x48: {  	v2 =	vand.u32 $0x7, v2;
	v3 =	vand.u32 $0xFFFFFFF8, v3  }
0x49: {  	v5 =	vor.u32 v2, v3;
	_ =	sdelay $0x4  }
0x4a: {  	v2 =	vmov s13;
	v3 =	vld.idx.msk [tilespmem:v5+s19+$0x0], $0xffff;
	_ =	sdelay $0x4  }
0x4b: {  	[tilespmem:v2+s23+$0x0 ss:$0x1] =	vst.idx.msk $0xffff, v3  }
0x4c: {  	v3 =	vmov s14;
	v4 =	vld.idx.msk [tilespmem:v5+s20+$0x0], $0xffff;
	_ =	sdelay $0x4  }
0x4d: {  	[tilespmem:v3+s23+$0x0 ss:$0x1] =	vst.idx.msk $0xffff, v4  }
0x4e: {  	s12 =	simm.s32 $0x40;
	s25 =	simm.s32 $0x80;
	v4 =	vmov s15;
	v5 =	vld.idx.msk [tilespmem:v5+s21+$0x0], $0xffff  }
.LBB2_5:
0x4f: {  	_ =	sdelay $0x2  }
0x50: {  	p0 =	sne.s32 s25, $0x3C0  }
0x51: {  	[tilespmem:v4+s23+$0x0 ss:$0x1] =	vst.idx.msk $0xffff, v5;
	s23 =	sshra.s32 s12, $0x2;
	s12 =	smov.u32 s25;
	s25 =	sadd.s32 $0x40, s25  }
0x52: {  	v5 =	vld.idx.msk [tilespmem:v1+s23+$0x0 ss:$0x1], $0xffff;
	_ =	sdelay $0x5  }
0x53: {  	v6 =	vsub.s32 v5, v0  }
0x54: {  	v5 =	vand.u32 $0x7, v5;
	v6 =	vand.u32 $0xFFFFFFF8, v6  }
0x55: {  	v5 =	vor.u32 v5, v6;
	_ =	sdelay $0x4  }
0x56: {  	v6 =	vld.idx.msk [tilespmem:v5+s19+$0x0], $0xffff;
	_ =	sdelay $0x5  }
0x57: {  	[tilespmem:v2+s23+$0x0 ss:$0x1] =	vst.idx.msk $0xffff, v6  }
0x58: {  	v6 =	vld.idx.msk [tilespmem:v5+s20+$0x0], $0xffff;
	_ =	sdelay $0x2  }
.Ltmp1:
0x59: {  	(pc) =	sbr.rel @p0 .LBB2_5-.Ltmp1, $3  }
0x5a: {  	_ =	sdelay $0x1  }
0x5b: {  	[tilespmem:v3+s23+$0x0 ss:$0x1] =	vst.idx.msk $0xffff, v6  }
0x5c: {  	v5 =	vld.idx.msk [tilespmem:v5+s21+$0x0], $0xffff  }
0x5d: {  	_ =	sdelay $0x3  }
0x5e: {  	s12 =	sshra.s32 s12, $0x2;
	[tilespmem:v4+s23+$0x0 ss:$0x1] =	vst.idx.msk $0xffff, v5  }
0x5f: {  	v1 =	vld.idx.msk [tilespmem:v1+s12+$0x0 ss:$0x1], $0xffff;
	_ =	sdelay $0x4  }
0x60: {  	v63 =	vsub.s32 v1, v0  }
0x61: {  	v1 =	vand.u32 $0x7, v1;
	v5 =	vand.u32 $0xFFFFFFF8, v63  }
0x62: {  	v1 =	vor.u32 v1, v5;
	_ =	sdelay $0x4  }
0x63: {  	v5 =	vld.idx.msk [tilespmem:v1+s19+$0x0], $0xffff;
	_ =	sdelay $0x4  }
0x64: {  	[tilespmem:v2+s12+$0x0 ss:$0x1] =	vst.idx.msk $0xffff, v5  }
0x65: {  	v2 =	vld.idx.msk [tilespmem:v1+s20+$0x0], $0xffff;
	_ =	sdelay $0x4  }
0x66: {  	[tilespmem:v3+s12+$0x0 ss:$0x1] =	vst.idx.msk $0xffff, v2  }
0x67: {  	v1 =	vld.idx.msk [tilespmem:v1+s21+$0x0], $0xffff;
	_ =	sdelay $0x4  }
0x68: {  	[tilespmem:v4+s12+$0x0 ss:$0x1] =	vst.idx.msk $0xffff, v1  }
0x69: {  	_ =	swait.ge [sflag:s0], $0x2000  }
0x6a: {  	[sflag:s0] =	ssyncset.done $0x0  }
0x6b: {  	[sflag:s0] =	ssyncadd.s32 $0xFFFFE000  }
0x6c: {  	_ =	swait.ge [sflag:s0], $0x2000  }
0x6d: {  	[sflag:s0] =	ssyncset.done $0x0  }
0x6e: {  	[sflag:s0] =	ssyncadd.s32 $0xFFFFE000  }
0x6f: {  	s12 =	sor.u32 s9, s22;
	_ =	swait.ge [sflag:s0], $0x800  }
0x70: {  	s22 =	sshll.u32 s12, $0x3;
	[sflag:s0] =	ssyncset.done $0x0  }
0x71: {  	s25 =	simm.s32 $0x14000;
	s23 =	sadd.s32 s1, s22;
	[sflag:s0] =	ssyncadd.s32 $0xFFFFF800  }
0x72: {  	[hbm4b:s23+s5] =	stream.linear.scatter [tilespmem:s25], [sflag:$0x5], $0x2000, $0x38;
	[tilespmem:$0x1D000] =	vst v63  }
0x73: {  	_ =	swait.ge [sflag:s4], $0x2000  }
0x74: {  	[sflag:s4] =	ssyncset.done $0x0  }
0x75: {  	s22 =	sadd.s32 s3, s22;
	[sflag:s4] =	ssyncadd.s32 $0xFFFFE000  }
0x76: {  	[hbm4b:s22+s5] =	stream.linear.scatter [tilespmem:s26], [sflag:$0x5], $0x2000, $0x38;
	[tilespmem:$0x1D000] =	vst v63  }
0x77: {  	_ =	swait.ge [sflag:s4], $0x2000  }
0x78: {  	s12 =	sshll.u32 s12, $0x1;
	[sflag:s4] =	ssyncset.done $0x0  }
0x79: {  	p0 =	seq.s32 s17, $0x1F;
	s12 =	sadd.s32 s2, s12;
	[sflag:s4] =	ssyncadd.s32 $0xFFFFE000  }
0x7a: {  	[hbm4b:s12+s5] =	stream.linear.scatter [tilespmem:s28], [sflag:$0x5], $0x800, $0x38;
	[tilespmem:$0x1D000] =	vst v63  }
0x7b: {  	s12 =	sshll.u32 @!p0 s17, $0x8;
	_ =	swait.ge [sflag:s4], $0x800  }
0x7c: {  	s23 =	simm.s32 @!p0 $0x14000;
	s12 =	sand.u32 @!p0 $0x3FFFFF00, s12;
	[sflag:s4] =	ssyncset.done $0x0  }
0x7d: {  	s22 =	simm.s32 @!p0 $0x80;
	s12 =	sadd.s32 @!p0 $0x100, s12;
	[sflag:s4] =	ssyncadd.s32 $0xFFFFF800  }
0x7e: {  	[tilespmem:s23], [sflag:$0x3] =	stream.indirect.gather @!p0 [hbm4b:s6+s22], $0x40, s12, s22, $0xb8;
	[tilespmem:$0x1D000] =	vst v63  }
0x7f: {  	s23 =	simm.s32 @!p0 $0x18000  }
0x80: {  	[tilespmem:s23], [sflag:$0x3] =	stream.indirect.gather @!p0 [hbm4b:s7+s22], $0x40, s12, s22, $0xb8;
	[tilespmem:$0x1D000] =	vst v63  }
0x81: {  	s23 =	simm.s32 @!p0 $0x1C000  }
0x82: {  	[tilespmem:s23], [sflag:$0x3] =	stream.indirect.gather @!p0 [hbm4b:s8+s22], $0x10, s12, s22, $0xb8;
	[tilespmem:$0x1D000] =	vst v63  }
0x83: {  	_ =	swait.ge [sflag:s11], $0x2000  }
0x84: {  	[sflag:s11] =	ssyncset.done $0x0  }
0x85: {  	[sflag:s11] =	ssyncadd.s32 $0xFFFFE000  }
0x86: {  	_ =	swait.ge [sflag:s11], $0x2000  }
0x87: {  	[sflag:s11] =	ssyncset.done $0x0  }
0x88: {  	s23 =	sor.u32 s9, s18;
	[sflag:s11] =	ssyncadd.s32 $0xFFFFE000  }
0x89: {  	s18 =	sshll.u32 s23, $0x3;
	_ =	swait.ge [sflag:s11], $0x800  }
0x8a: {  	s18 =	sand.u32 $0x1FFFFC00, s18;
	[sflag:s11] =	ssyncset.done $0x0  }
0x8b: {  	s25 =	sadd.s32 s1, s18;
	[sflag:s11] =	ssyncadd.s32 $0xFFFFF800  }
0x8c: {  	[hbm4b:s25+s5] =	stream.linear.scatter [tilespmem:s29], [sflag:$0x5], $0x2000, $0x38;
	[tilespmem:$0x1D000] =	vst v63  }
0x8d: {  	_ =	swait.ge [sflag:s4], $0x2000  }
0x8e: {  	[sflag:s4] =	ssyncset.done $0x0  }
0x8f: {  	s18 =	sadd.s32 s3, s18;
	[sflag:s4] =	ssyncadd.s32 $0xFFFFE000  }
0x90: {  	[hbm4b:s18+s5] =	stream.linear.scatter [tilespmem:s30], [sflag:$0x5], $0x2000, $0x38;
	[tilespmem:$0x1D000] =	vst v63  }
0x91: {  	s17 =	sadd.s32 $0x1, s17;
	s12 =	sshll.u32 s23, $0x1;
	_ =	swait.ge [sflag:s4], $0x2000  }
0x92: {  	p0 =	sne.s32 s17, $0x20;
	s12 =	sand.u32 $0x1FFFFF00, s12;
	[sflag:s4] =	ssyncset.done $0x0  }
.Ltmp2:
0x93: {  	s12 =	sadd.s32 s2, s12;
	[sflag:s4] =	ssyncadd.s32 $0xFFFFE000;
	(pc) =	sbr.rel @p0 .LBB2_4-.Ltmp2, $4  }
0x94: {  	[hbm4b:s12+s5] =	stream.linear.scatter [tilespmem:s31], [sflag:$0x5], $0x800, $0x38;
	[tilespmem:$0x1D000] =	vst v63  }
0x95: {  	_ =	swait.ge [sflag:s4], $0x800  }
0x96: {  	s16 =	sadd.s32 $0x100, s16;
	s13 =	sadd.s32 $0x100, s13;
	[sflag:s4] =	ssyncset.done $0x0  }
0x97: {  	s14 =	sadd.s32 $0x100, s14;
	s15 =	sadd.s32 $0x100, s15;
	[sflag:s4] =	ssyncadd.s32 $0xFFFFF800  }
0x98: {  	s12 =	rddreg [dreg:$0xd];
	s13 =	simm.s32 $0xE000  }
0x99: {  	[hbm4b:s12+s5] =	stream.linear.scatter [tilespmem:s13], [sflag:$0x5], $0x2000, $0x38;
	[tilespmem:$0x1D000] =	vst v63  }
0x9a: {  	_ =	swait.ge [sflag:s4], $0x2000  }
0x9b: {  	[sflag:s4] =	ssyncset.done $0x0  }
0x9c: {  	s17 =	simm.s32 $0x10000;
	s16 =	rddreg [dreg:$0xe];
	[sflag:s4] =	ssyncadd.s32 $0xFFFFE000  }
0x9d: {  	[hbm4b:s16+s5] =	stream.linear.scatter [tilespmem:s17], [sflag:$0x5], $0x2000, $0x38;
	[tilespmem:$0x1D000] =	vst v63  }
0x9e: {  	_ =	swait.ge [sflag:s4], $0x2000  }
0x9f: {  	[sflag:s4] =	ssyncset.done $0x0  }
0xa0: {  	s22 =	simm.s32 $0x12000;
	s18 =	rddreg [dreg:$0xf];
	[sflag:s4] =	ssyncadd.s32 $0xFFFFE000  }
0xa1: {  	[hbm4b:s18+s5] =	stream.linear.scatter [tilespmem:s22], [sflag:$0x5], $0x2000, $0x38;
	[tilespmem:$0x1D000] =	vst v63  }
0xa2: {  	_ =	swait.ge [sflag:s4], $0x2000  }
0xa3: {  	s23 =	rddreg [dreg:$0x11]  }
0xa4: {  	s25 =	rddreg [dreg:$0x10];
	s13 =	sadd.s32 $0x1, s23  }
0xa5: {  	p0 =	sne.s32 s13, s25  }
.Ltmp3:
0xa6: {  	_ = 	snop;
	(pc) =	sbr.rel @p0 .LBB2_1-.Ltmp3, $3  }
0xa7: {  	_ =	sdelay $0x1  }
0xa8: {  	[sflag:s4] =	ssyncset.done $0x0  }
0xa9: {  	[sflag:s4] =	ssyncadd.s32 $0xFFFFE000  }
0xaa: {  	_ =	sfence.sel $0x180000  }
0xab: {  	[bflag:$0x0] =	sbarrier.arrive $0xFFFF  }
0xac: {  	_ =	strace $0x90000047  }
0xad: {  	s0 =	stileid.u32;
	[bflag:$0x2] =	sbarrier.arrive $0xFFFF  }
0xae: {  	p0 =	sne.s32 s0, $0x0;
	s0 =	rddreg [dreg:$0x8]  }
0xaf: {  	s0 =	sadd.s32 @!p0 $0x100000, s0  }
0xb0: {  	[sflag:s0] =	ssyncadd.tile.s32 @!p0 $0x1;
	_ =	shalt  }
.Lfunc_end2:
_tile_overlayer_lowered:
.L_overlay_start_2:
0xb1: {  	(tag) =	ssettag $0x2  }
0xb2: {  	s0 =	rddreg [dreg:$0x0];
	s2 =	stileid.u32  }
0xb3: {  	s1 =	rddreg [dreg:$0x1];
	p0 =	sne.s32 s2, $0x0  }
0xb4: {  	s3 =	rddreg [dreg:$0x2];
	[bflag:$0x3] =	sbarrier.arrive $0xFFFF;
	s2 =	simm.s32 @!p0 $0x1C05  }
0xb5: {  	[timem:s3], [sflag:s2] =	dma.local @!p0 [hbm:s0], s1  }
0xb6: {  	s0 =	simm.s32 @!p0 $0x5  }
0xb7: {  	_ =	swait.ge @!p0 [sflag:s0], s1  }
0xb8: {  	s1 =	ssub.s32 @!p0 $0x0, s1;
	[sflag:s0] =	ssyncset.done @!p0 $0x0  }
0xb9: {  	[sflag:s0] =	ssyncadd.s32 @!p0 s1  }
0xba: {  	[bflag:$0x3] =	sbarrier.arrive $0xFFFF  }
0xbb: {  	_ =	shalt  }

// kernel: sparse-core-data-format-call.1.cloned.1.call-start
scs
called_computation.1_lowered:
.L_overlay_start_0:
0x0: {  	s2 =	sld [smem:$0x3FD9]  }
0x1: {  	s3 =	sld [smem:$0x3FFE];
	_ =	sdelay $0x1  }
0x2: {  	s1 =	srdreg.scid  }
0x3: {  	s0 =	sand.u32 $0x1, s1  }
0x4: {  	s15 =	sshll.u32 s0, $0xA;
	s2 =	sadd.s32 s3, s2  }
0x5: {  	s2 =	sadd.s32 s2, s15  }
0x6: {  	[smem:$0x3FC1] =	sst s2  }
0x7: {  	_ = 	snop  }
0x8: {  	s2 =	sld [smem:$0x3FD0];
	_ =	sdelay $0x2  }
0x9: {  	s16 =	simm.s32 $0xB;
	s4 =	simm.s32 $0x10  }
0xa: {  	[smem:s4], [sflag:s16] =	dma.local [hbm:s2], $0x1  }
0xb: {  	_ =	swait.eq [sflag:s16], $0x1  }
0xc: {  	[sflag:s16] =	ssyncset.done $0x0  }
0xd: {  	[sflag:s16] =	ssyncadd.s32 $0xFFFFFFFF  }
0xe: {  	s17 =	sld [smem:$0x10];
	(tm) =	ssettm $0x1  }
0xf: {  	s18 =	sld [smem:$0x3FFB];
	_ =	sdelay $0x3  }
0x10: {  	_ =	strace s18  }
0x11: {  	s3 =	sld [smem:$0x3FFC];
	_ =	sdelay $0x3  }
0x12: {  	_ =	strace s3  }
0x13: {  	s3 =	sld [smem:$0x3FFD];
	_ =	sdelay $0x3  }
0x14: {  	_ =	strace s3  }
0x15: {  	_ =	strace $0x8FFFFFFF  }
0x16: {  	s19 =	sld [smem:$0x3FDB];
	_ =	sdelay $0x1  }
0x17: {  	s20 =	simm.s32 $_scs_section_size  }
0x18: {  	s5 =	simm.s32 $_size__tile_overlayer_lowered;
	s6 =	simm.s32 $_tile_overlayer_lowered  }
0x19: {  	s23 =	simm.s32 $0x1BFF;
	s22 =	sshll.u32 s6, $0x1;
	s3 =	sadd.s32 s20, s19  }
0x1a: {  	s7 =	simm.s32 $0x0;
	s21 =	sshll.u32 s5, $0x1;
	s5 =	sadd.s32 s22, s3  }
0x1b: {  	[timem:s7], [sflag:s23] =	dma.local [hbm:s5], s21  }
0x1c: {  	_ =	swait.ge [sflag:s23], s21  }
0x1d: {  	s4 =	ssub.s32 $0x0, s21;
	[sflag:s23] =	ssyncset.done $0x0  }
0x1e: {  	[sflag:s23] =	ssyncadd.s32 s4;
	_ =	sdelay $0x1  }
0x1f: {  	s24 =	simm.s32 $0x1B8B  }
0x20: {  	_ =	swait.ge [sflag:s24], $0x1  }
0x21: {  	[sflag:s24] =	ssyncset.done $0x0  }
0x22: {  	s26 =	simm.s32 $0x1B8E;
	s25 =	sld [smem:$0x3FFE];
	[sflag:s24] =	ssyncadd.s32 $0xFFFFFFFF  }
0x23: {  	s27 =	simm.s32 $execute0_lowered;
	[smem:$0x3FD2] =	sst s26  }
0x24: {  	s5 =	sshll.u32 s27, $0x1;
	_ =	strace $0x80000049;
	[dreg:$0x1] =	wrdreg $0xFFFFFFFF  }
0x25: {  	s28 =	simm.s32 $_size_execute0_lowered;
	s3 =	sadd.s32 s3, s5;
	[dreg:$0x0] =	wrdreg $0x0  }
0x26: {  	s5 =	sshll.u32 s28, $0x1;
	[dreg:$0x2] =	wrdreg s3  }
0x27: {  	[dreg:$0x3] =	wrdreg s5  }
0x28: {  	[dreg:$0x4] =	wrdreg $0xC0  }
0x29: {  	_ =	task [dreg:s7], $0x5FFFF  }
0x2a: {  	[dreg:$0x1] =	wrdreg $0xFFFFFFFF  }
0x2b: {  	[dreg:$0x0] =	wrdreg $0x60  }
0x2c: {  	[dreg:$0x2] =	wrdreg s25  }
0x2d: {  	[dreg:$0x3] =	wrdreg s17  }
0x2e: {  	[dreg:$0x4] =	wrdreg $0xA  }
0x2f: {  	_ =	task.clear_ibuf [dreg:s7], $0x5FFFF;
	_ =	strace $0x90000049  }
0x30: {  	s29 =	simm.s32 $0xA;
	_ =	strace $0x8000004B  }
0x31: {  	_ =	swait.ge [sflag:s29], $0x1  }
0x32: {  	[sflag:s29] =	ssyncadd.s32 $0xFFFFFFFF  }
0x33: {  	_ =	strace $0x9000004B  }
0x34: {  	_ =	sfence  }
0x35: {  	s30 =	sld [smem:$0x0];
	_ =	sdelay $0x2  }
0x36: {  	s31 =	sshll.u32 s1, $0xD;
	s1 =	sshrl.u32 s1, $0x2  }
0x37: {  	s3 =	sand.u32 $0x4000, s31;
	s1 =	sadd.s32 s1, s30  }
0x38: {  	s0 =	sor.u32 s3, s0;
	s1 =	sshll.u32 s1, $0x11  }
0x39: {  	s0 =	sor.u32 s1, s0  }
0x3a: {  	s0 =	sadd.s32 $0x8F2B, s0  }
0x3b: {  	[sflag:s0] =	ssyncadd.remote.s32 $0x1  }
0x3c: {  	_ =	sfence.sel $0xFFFF  }
0x3d: {  	[dreg:$0x0] =	wrdreg $0xFFFFFFFF;
	(pc) =	sbr.abs _section_cstart, $3  }
0x3e: {  	[dreg:$0x1] =	wrdreg $0xFFFFFFFF  }
0x3f: {  	_ =	task.clear_ibuf [dreg:s7], $0x2FFFF;
	_ =	strace $0x9FFFFFFF  }
0x40: {  	(tm) =	ssettm $0x7FFFFFFF  }
0x41: {  	_ =	shalt  }
tec
execute0_lowered:
.L_overlay_start_1:
0x0: {  	(tag) =	ssettag $0x1  }
0x1: {  	s0 =	srdreg.scid  }
0x2: {  	s1 =	sshll.u32 s0, $0x4  }
0x3: {  	s4 =	rddreg [dreg:$0x0];
	s0 =	stileid.u32;
	s1 =	sand.u32 $0x10, s1  }
0x4: {  	s2 =	rddreg [dreg:$0x1];
	s7 =	simm.s32 $0x1;
	s1 =	sor.u32 s0, s1  }
0x5: {  	s8 =	simm.s32 $0x2;
	s11 =	simm.s32 $0x0;
	s3 =	sshll.u32 s1, $0x7  }
0x6: {  	s10 =	simm.s32 $0x0;
	s4 =	sadd.s32 $0x1A00, s4;
	s6 =	ssub.s32 $0x40000, s3  }
.Ltmp0:
0x7: {  	s1 =	rddreg [dreg:$0x2];
	s5 =	sand.u32 $0xF80, s6;
	(pc) =	sbr.rel .LBB1_1-.Ltmp0, $4  }
0x8: {  	_ =	strace $0x8000004A;
	s9 =	smov.u32 s3;
	p0 =	sne.s32 s5, $0x0  }
0x9: {  	s6 =	sshrl.u32 s6, $0xC;
	s5 =	simm.s32 $0x1;
	s7 =	simm.s32 @!p0 $0x0  }
0xa: {  	[sflag:s5] =	ssyncpa.u1 $0x0;
	p0 =	por $0x0, $0x0;
	s6 =	sadd.s32 s7, s6  }
0xb: {  	[sflag:s8] =	ssyncpa.u1 $0x0;
	s8 =	simm.s32 $0x200000;
	s7 =	sadd.s32 $0x1, s6  }
.LBB1_4:
0xc: {  	s14 =	sshll.u32 s11, $0x3  }
0xd: {  	s15 =	sand.u32 $0x78, s11;
	s14 =	sand.u32 $0x3FC00, s14  }
0xe: {  	[tilespmem:s13+$0x810 ss:$0x81] =	vst.msk $0xffff, v2;
	s29 =	sand.u32 $0x1F8000, s11;
	s30 =	sand.u32 $0x7, s11;
	s14 =	sor.u32 s15, s14  }
0xf: {  	[tilespmem:s13+$0x1020 ss:$0x81] =	vst.msk $0xffff, v0;
	s11 =	sshll.u32 s30, $0x12;
	s15 =	sadd.s32 s2, s29;
	s14 =	sshrl.u32 s14, $0x3  }
0x10: {  	[tilespmem:s13+$0x0 ss:$0x81] =	vst.msk $0xffff, v1;
	s11 =	sor.u32 $0x400, s11;
	s31 =	sadd.s32 s14, s15  }
0x11: {  	[hbm4b:s31+s11] =	stream.strided.scatter [tilespmem:s12], [sflag:$0x2], $0x2000, s8, s11, $0x20;
	[tilespmem:$0x8080] =	vst v63  }
.LBB1_5:
0x12: {  	s13 =	sadd.s32 $0x1000, s9  }
0x13: {  	p2 =	sgt.s32 s13, $0x3FFFF  }
0x14: {  	s13 =	smov.u32 @p2 s3;
	p2 =	sne.s32 s10, s7  }
.Ltmp1:
0x15: {  	p1 =	slt.u32 s10, $0x2;
	(pc) =	sbr.rel @!p2 .LBB1_6-.Ltmp1, $4  }
0x16: {  	s12 =	simm.s32 @!p1 $0x2  }
0x17: {  	s14 =	sadd.s32 $0x1, s10;
	_ =	swait.ge @!p1 [sflag:s12], $0x2000  }
0x18: {  	s11 =	smov.u32 s9;
	p0 =	por !p0, !p0;
	[sflag:s12] =	ssyncset.done @!p1 $0x0  }
0x19: {  	s10 =	smov.u32 s14;
	s9 =	smov.u32 s13;
	[sflag:s12] =	ssyncadd.s32 @!p1 $0xFFFFE000  }
.LBB1_1:
0x1a: {  	p1 =	sge.u32 s10, s6  }
0x1b: {  	s31 =	sadd.s32 $0xFFFFFFFF, s10;
	s12 =	sxor.u32 @!p1 $0xFFFFFFFF, s10;
	s13 =	sshll.u32 @!p1 s9, $0x4  }
0x1c: {  	s14 =	simm.s32 @!p1 $0x40;
	s12 =	sshll.u32 @!p1 s12, $0xD;
	s13 =	sand.u32 @!p1 $0x3FFFF0, s13  }
0x1d: {  	s15 =	simm.s32 @!p1 $0x80;
	s12 =	sand.u32 @!p1 $0x2000, s12;
	s13 =	sadd.s32 @!p1 s4, s13  }
0x1e: {  	[tilespmem:s12], [sflag:$0x1] =	stream.strided.gather @!p1 [hbm4b:s13+s14], $0x2000, s15, s14, $0x38;
	[tilespmem:$0x8080] =	vst v63  }
0x1f: {  	p1 =	sge.u32 s31, s6  }
.Ltmp2:
0x20: {  	_ = 	snop;
	(pc) =	sbr.rel @p1 .LBB1_5-.Ltmp2, $1  }
0x21: {  	_ =	sdelay $0x3  }
0x22: {  	s12 =	simm.s32 $0x1  }
0x23: {  	_ =	swait.ge [sflag:s5], $0x2000;
	s12 =	simm.s32 @!p0 $0x0  }
0x24: {  	[sflag:s5] =	ssyncset.done $0x0;
	s13 =	sshll.u32 s12, $0xD  }
0x25: {  	[sflag:s5] =	ssyncadd.s32 $0xFFFFE000;
	s16 =	sor.u32 $0x20, s13  }
0x26: {  	s12 =	smul.u32 $0x8100, s12;
	v3 =	vld [tilespmem:s16+$0x10]  }
0x27: {  	s30 =	sand.u32 $0x1, s10;
	v2 =	vld [tilespmem:s16+$0xFFFFFFF0]  }
0x28: {  	s13 =	smul.u32 $0x8100, s30;
	s12 =	sshrl.u32 s12, $0x2;
	v0 =	vld [tilespmem:s16+$0x0]  }
0x29: {  	v1 =	vld [tilespmem:s16+$0xFFFFFFE0];
	s14 =	sor.u32 $0x4000, s12  }
0x2a: {  	s31 =	sshrl.u32 s13, $0x2;
	s13 =	sadd.s32 $0x0, s14  }
0x2b: {  	s15 =	simm.s32 $0x4;
	s16 =	sadd.s32 $0x40, s16;
	s12 =	sor.u32 $0x4000, s31;
	[tilespmem:s13+$0x1830 ss:$0x81] =	vst.msk $0xffff, v3  }
.LBB1_3:
0x2c: {  	v3 =	vld [tilespmem:s16+$0x10];
	p1 =	sne.s32 s15, $0x1FC;
	[tilespmem:s13+$0x810 ss:$0x81] =	vst.msk $0xffff, v2;
	s17 =	smov.u32 s15;
	s15 =	sadd.s32 $0x4, s15  }
.Ltmp3:
0x2d: {  	v2 =	vld [tilespmem:s16+$0xFFFFFFF0];
	[tilespmem:s13+$0x1020 ss:$0x81] =	vst.msk $0xffff, v0;
	(pc) =	sbr.rel @p1 .LBB1_3-.Ltmp3, $4  }
0x2e: {  	v0 =	vld [tilespmem:s16+$0x0];
	[tilespmem:s13+$0x0 ss:$0x81] =	vst.msk $0xffff, v1  }
0x2f: {  	s13 =	sshra.s32 s17, $0x2;
	v1 =	vld [tilespmem:s16+$0xFFFFFFE0]  }
0x30: {  	s13 =	sadd.s32 s13, s14  }
0x31: {  	s16 =	sadd.s32 $0x40, s16;
	[tilespmem:s13+$0x1830 ss:$0x81] =	vst.msk $0xffff, v3  }
.Ltmp4:
0x32: {  	_ = 	snop;
	(pc) =	sbr.rel .LBB1_4-.Ltmp4, $1  }
0x33: {  	_ =	sdelay $0x3  }
.LBB1_6:
0x34: {  	_ =	sfence.sel $0x180000  }
0x35: {  	s2 =	simm.s32 $0x1;
	[bflag:$0x0] =	sbarrier.arrive $0xFFFF  }
0x36: {  	s31 =	simm.s32 $0x2;
	[sflag:s2] =	ssyncpa.u1 $0x1  }
0x37: {  	[sflag:s31] =	ssyncpa.u1 $0x1  }
0x38: {  	p0 =	sne.s32 s0, $0x0;
	_ =	strace $0x9000004A  }
0x39: {  	s0 =	sadd.s32 @!p0 $0x100000, s1;
	[bflag:$0x2] =	sbarrier.arrive $0xFFFF  }
0x3a: {  	[sflag:s0] =	ssyncadd.tile.s32 @!p0 $0x1;
	_ =	shalt  }
.Lfunc_end1:
_tile_overlayer_lowered:
.L_overlay_start_2:
0x3b: {  	(tag) =	ssettag $0x2  }
0x3c: {  	s0 =	rddreg [dreg:$0x0];
	s2 =	stileid.u32  }
0x3d: {  	s1 =	rddreg [dreg:$0x1];
	p0 =	sne.s32 s2, $0x0  }
0x3e: {  	s3 =	rddreg [dreg:$0x2];
	[bflag:$0x3] =	sbarrier.arrive $0xFFFF;
	s2 =	simm.s32 @!p0 $0x1C01  }
0x3f: {  	[timem:s3], [sflag:s2] =	dma.local @!p0 [hbm:s0], s1  }
0x40: {  	s0 =	simm.s32 @!p0 $0x1  }
0x41: {  	_ =	swait.ge @!p0 [sflag:s0], s1  }
0x42: {  	s1 =	ssub.s32 @!p0 $0x0, s1;
	[sflag:s0] =	ssyncset.done @!p0 $0x0  }
0x43: {  	[sflag:s0] =	ssyncadd.s32 @!p0 s1  }
0x44: {  	[bflag:$0x3] =	sbarrier.arrive $0xFFFF  }
0x45: {  	_ =	shalt  }

// kernel: sparse-core-data-format-call.cloned.1.call-start
scs
called_computation_lowered:
.L_overlay_start_0:
0x0: {  	s2 =	sld [smem:$0x3FD9]  }
0x1: {  	s3 =	sld [smem:$0x3FFE];
	_ =	sdelay $0x1  }
0x2: {  	s1 =	srdreg.scid  }
0x3: {  	s0 =	sand.u32 $0x1, s1  }
0x4: {  	s16 =	sshll.u32 s0, $0xA;
	s2 =	sadd.s32 s3, s2  }
0x5: {  	s2 =	sadd.s32 s2, s16  }
0x6: {  	[smem:$0x3FC1] =	sst s2  }
0x7: {  	_ = 	snop  }
0x8: {  	s2 =	sld [smem:$0x3FD0];
	_ =	sdelay $0x2  }
0x9: {  	s17 =	simm.s32 $0xB;
	s4 =	simm.s32 $0x10  }
0xa: {  	[smem:s4], [sflag:s17] =	dma.local [hbm:s2], $0x1  }
0xb: {  	_ =	swait.eq [sflag:s17], $0x1  }
0xc: {  	[sflag:s17] =	ssyncset.done $0x0  }
0xd: {  	[sflag:s17] =	ssyncadd.s32 $0xFFFFFFFF  }
0xe: {  	s18 =	sld [smem:$0x15];
	(tm) =	ssettm $0x1  }
0xf: {  	s19 =	sld [smem:$0x3FFB];
	_ =	sdelay $0x3  }
0x10: {  	_ =	strace s19  }
0x11: {  	s2 =	sld [smem:$0x3FFC];
	_ =	sdelay $0x3  }
0x12: {  	_ =	strace s2  }
0x13: {  	s2 =	sld [smem:$0x3FFD];
	_ =	sdelay $0x3  }
0x14: {  	_ =	strace s2  }
0x15: {  	_ =	strace $0x8FFFFFFF  }
0x16: {  	s20 =	sld [smem:$0x3FDB];
	_ =	sdelay $0x1  }
0x17: {  	s21 =	simm.s32 $_scs_section_size  }
0x18: {  	s5 =	simm.s32 $_size__tile_overlayer_lowered;
	s6 =	simm.s32 $_tile_overlayer_lowered  }
0x19: {  	s7 =	simm.s32 $0x1BFF;
	s22 =	sshll.u32 s6, $0x1;
	s4 =	sadd.s32 s21, s20  }
0x1a: {  	s23 =	simm.s32 $0x0;
	s5 =	sshll.u32 s5, $0x1;
	s6 =	sadd.s32 s22, s4  }
0x1b: {  	[timem:s23], [sflag:s7] =	dma.local [hbm:s6], s5  }
0x1c: {  	_ =	swait.ge [sflag:s7], s5  }
0x1d: {  	s5 =	ssub.s32 $0x0, s5;
	[sflag:s7] =	ssyncset.done $0x0  }
0x1e: {  	[sflag:s7] =	ssyncadd.s32 s5;
	_ =	sdelay $0x1  }
0x1f: {  	s24 =	simm.s32 $0x1B8B  }
0x20: {  	_ =	swait.ge [sflag:s24], $0x1  }
0x21: {  	[sflag:s24] =	ssyncset.done $0x0  }
0x22: {  	[sflag:s24] =	ssyncadd.s32 $0xFFFFFFFF  }
0x23: {  	s5 =	sld [smem:$0x0]  }
0x24: {  	s6 =	sand.u32 $0xFFFFFFFE, s1  }
0x25: {  	p0 =	sne.s32 s1, s6  }
0x26: {  	s6 =	sshll.u32 @p0 s6, $0xE  }
0x27: {  	s6 =	sadd.s32 @p0 $0x11B8D, s6;
	s7 =	sshll.u32 @p0 s5, $0x11  }
0x28: {  	s6 =	sor.u32 @p0 s7, s6  }
0x29: {  	[sflag:s6] =	ssyncadd.remote.s32 @p0 $0x1;
	_ =	sdelay $0x1  }
0x2a: {  	s6 =	simm.s32 @p0 $0x1B8D  }
0x2b: {  	_ =	swait.eq @p0 [sflag:s6], $0x1  }
0x2c: {  	[sflag:s6] =	ssyncadd.s32 @p0 $0xFFFFFFFF  }
0x2d: {  	s7 =	sshll.u32 @!p0 s1, $0xE  }
0x2e: {  	s7 =	sor.u32 @!p0 $0x4000, s7;
	s6 =	simm.s32 @!p0 $0x1B8D  }
0x2f: {  	s5 =	sshll.u32 @!p0 s5, $0x11;
	s7 =	sadd.s32 @!p0 $0x11B8D, s7;
	_ =	swait.eq @!p0 [sflag:s6], $0x1  }
0x30: {  	s5 =	sor.u32 @!p0 s5, s7;
	[sflag:s6] =	ssyncadd.s32 @!p0 $0xFFFFFFFF  }
0x31: {  	s26 =	simm.s32 $0x1B8E;
	s25 =	sld [smem:$0x3FFE];
	[sflag:s5] =	ssyncadd.remote.s32 @!p0 $0x1  }
0x32: {  	s27 =	simm.s32 $execute0_lowered;
	[smem:$0x3FD2] =	sst s26  }
0x33: {  	s6 =	sshll.u32 s27, $0x1;
	_ =	strace $0x8000004C;
	[dreg:$0x1] =	wrdreg $0xFFFFFFFF  }
0x34: {  	s28 =	simm.s32 $_size_execute0_lowered;
	s4 =	sadd.s32 s4, s6;
	[dreg:$0x0] =	wrdreg $0x0  }
0x35: {  	s6 =	sshll.u32 s28, $0x1;
	[dreg:$0x2] =	wrdreg s4  }
0x36: {  	[dreg:$0x3] =	wrdreg s6  }
0x37: {  	[dreg:$0x4] =	wrdreg $0xC0  }
0x38: {  	_ =	task [dreg:s23], $0x5FFFF  }
0x39: {  	[dreg:$0x1] =	wrdreg $0xFFFFFFFF  }
0x3a: {  	[dreg:$0x0] =	wrdreg $0x60  }
0x3b: {  	[dreg:$0x2] =	wrdreg s25  }
0x3c: {  	[dreg:$0x3] =	wrdreg s18  }
0x3d: {  	[dreg:$0x4] =	wrdreg $0x9  }
0x3e: {  	_ =	task.clear_ibuf [dreg:s23], $0x5FFFF;
	_ =	strace $0x9000004C  }
0x3f: {  	s29 =	simm.s32 $0x9;
	_ =	strace $0x8000004E  }
0x40: {  	_ =	swait.ge [sflag:s29], $0x1  }
0x41: {  	[sflag:s29] =	ssyncadd.s32 $0xFFFFFFFF  }
0x42: {  	_ =	strace $0x9000004E  }
0x43: {  	_ =	sfence  }
0x44: {  	s30 =	sld [smem:$0x0];
	_ =	sdelay $0x2  }
0x45: {  	s31 =	sshll.u32 s1, $0xD;
	s1 =	sshrl.u32 s1, $0x2  }
0x46: {  	s4 =	sand.u32 $0x4000, s31;
	s1 =	sadd.s32 s1, s30  }
0x47: {  	s0 =	sor.u32 s4, s0;
	s1 =	sshll.u32 s1, $0x11  }
0x48: {  	s0 =	sor.u32 s1, s0  }
0x49: {  	s0 =	sadd.s32 $0x8F2B, s0  }
0x4a: {  	[sflag:s0] =	ssyncadd.remote.s32 $0x1  }
0x4b: {  	_ =	sfence.sel $0xFFFF  }
0x4c: {  	[dreg:$0x0] =	wrdreg $0xFFFFFFFF;
	(pc) =	sbr.abs _section_cstart, $3  }
0x4d: {  	[dreg:$0x1] =	wrdreg $0xFFFFFFFF  }
0x4e: {  	_ =	task.clear_ibuf [dreg:s23], $0x2FFFF;
	_ =	strace $0x9FFFFFFF  }
0x4f: {  	(tm) =	ssettm $0x7FFFFFFF  }
tec
execute0_lowered:
.L_overlay_start_1:
0x0: {  	(tag) =	ssettag $0x1  }
0x1: {  	s0 =	srdreg.scid  }
0x2: {  	s1 =	sshll.u32 s0, $0x4  }
0x3: {  	s4 =	rddreg [dreg:$0x0];
	s0 =	stileid.u32;
	s1 =	sand.u32 $0x10, s1  }
0x4: {  	s2 =	rddreg [dreg:$0x1];
	s7 =	simm.s32 $0x1;
	s1 =	sor.u32 s0, s1  }
0x5: {  	s8 =	simm.s32 $0x2;
	s11 =	simm.s32 $0x0;
	s3 =	sshll.u32 s1, $0x7  }
0x6: {  	s10 =	simm.s32 $0x0;
	s4 =	sadd.s32 $0x401A00, s4;
	s6 =	ssub.s32 $0x40000, s3  }
.Ltmp0:
0x7: {  	s1 =	rddreg [dreg:$0x2];
	s5 =	sand.u32 $0xF80, s6;
	(pc) =	sbr.rel .LBB1_1-.Ltmp0, $4  }
0x8: {  	_ =	strace $0x8000004D;
	s9 =	smov.u32 s3;
	p0 =	sne.s32 s5, $0x0  }
0x9: {  	s6 =	sshrl.u32 s6, $0xC;
	s5 =	simm.s32 $0x1;
	s7 =	simm.s32 @!p0 $0x0  }
0xa: {  	[sflag:s5] =	ssyncpa.u1 $0x0;
	p0 =	por $0x0, $0x0;
	s6 =	sadd.s32 s7, s6  }
0xb: {  	[sflag:s8] =	ssyncpa.u1 $0x0;
	s8 =	simm.s32 $0x200000;
	s7 =	sadd.s32 $0x1, s6  }
.LBB1_4:
0xc: {  	s14 =	sshll.u32 s11, $0x3  }
0xd: {  	s15 =	sand.u32 $0x78, s11;
	s14 =	sand.u32 $0x3FC00, s14  }
0xe: {  	[tilespmem:s13+$0x810 ss:$0x81] =	vst.msk $0xffff, v2;
	s29 =	sand.u32 $0x1F8000, s11;
	s30 =	sand.u32 $0x7, s11;
	s14 =	sor.u32 s15, s14  }
0xf: {  	[tilespmem:s13+$0x1020 ss:$0x81] =	vst.msk $0xffff, v0;
	s11 =	sshll.u32 s30, $0x12;
	s15 =	sadd.s32 s2, s29;
	s14 =	sshrl.u32 s14, $0x3  }
0x10: {  	[tilespmem:s13+$0x0 ss:$0x81] =	vst.msk $0xffff, v1;
	s11 =	sor.u32 $0x400, s11;
	s31 =	sadd.s32 s14, s15  }
0x11: {  	[hbm4b:s31+s11] =	stream.strided.scatter [tilespmem:s12], [sflag:$0x2], $0x2000, s8, s11, $0x20;
	[tilespmem:$0x8080] =	vst v63  }
.LBB1_5:
0x12: {  	s13 =	sadd.s32 $0x1000, s9  }
0x13: {  	p2 =	sgt.s32 s13, $0x3FFFF  }
0x14: {  	s13 =	smov.u32 @p2 s3;
	p2 =	sne.s32 s10, s7  }
.Ltmp1:
0x15: {  	p1 =	slt.u32 s10, $0x2;
	(pc) =	sbr.rel @!p2 .LBB1_6-.Ltmp1, $4  }
0x16: {  	s12 =	simm.s32 @!p1 $0x2  }
0x17: {  	s14 =	sadd.s32 $0x1, s10;
	_ =	swait.ge @!p1 [sflag:s12], $0x2000  }
0x18: {  	s11 =	smov.u32 s9;
	p0 =	por !p0, !p0;
	[sflag:s12] =	ssyncset.done @!p1 $0x0  }
0x19: {  	s10 =	smov.u32 s14;
	s9 =	smov.u32 s13;
	[sflag:s12] =	ssyncadd.s32 @!p1 $0xFFFFE000  }
.LBB1_1:
0x1a: {  	p1 =	sge.u32 s10, s6  }
0x1b: {  	s31 =	sadd.s32 $0xFFFFFFFF, s10;
	s12 =	sxor.u32 @!p1 $0xFFFFFFFF, s10;
	s13 =	sshll.u32 @!p1 s9, $0x4  }
0x1c: {  	s14 =	simm.s32 @!p1 $0x40;
	s12 =	sshll.u32 @!p1 s12, $0xD;
	s13 =	sand.u32 @!p1 $0x3FFFF0, s13  }
0x1d: {  	s15 =	simm.s32 @!p1 $0x80;
	s12 =	sand.u32 @!p1 $0x2000, s12;
	s13 =	sadd.s32 @!p1 s4, s13  }
0x1e: {  	[tilespmem:s12], [sflag:$0x1] =	stream.strided.gather @!p1 [hbm4b:s13+s14], $0x2000, s15, s14, $0x38;
	[tilespmem:$0x8080] =	vst v63  }
0x1f: {  	p1 =	sge.u32 s31, s6  }
.Ltmp2:
0x20: {  	_ = 	snop;
	(pc) =	sbr.rel @p1 .LBB1_5-.Ltmp2, $1  }
0x21: {  	_ =	sdelay $0x3  }
0x22: {  	s12 =	simm.s32 $0x1  }
0x23: {  	_ =	swait.ge [sflag:s5], $0x2000;
	s12 =	simm.s32 @!p0 $0x0  }
0x24: {  	[sflag:s5] =	ssyncset.done $0x0;
	s13 =	sshll.u32 s12, $0xD  }
0x25: {  	[sflag:s5] =	ssyncadd.s32 $0xFFFFE000;
	s16 =	sor.u32 $0x20, s13  }
0x26: {  	s12 =	smul.u32 $0x8100, s12;
	v3 =	vld [tilespmem:s16+$0x10]  }
0x27: {  	s30 =	sand.u32 $0x1, s10;
	v2 =	vld [tilespmem:s16+$0xFFFFFFF0]  }
0x28: {  	s13 =	smul.u32 $0x8100, s30;
	s12 =	sshrl.u32 s12, $0x2;
	v0 =	vld [tilespmem:s16+$0x0]  }
0x29: {  	v1 =	vld [tilespmem:s16+$0xFFFFFFE0];
	s14 =	sor.u32 $0x4000, s12  }
0x2a: {  	s31 =	sshrl.u32 s13, $0x2;
	s13 =	sadd.s32 $0x0, s14  }
0x2b: {  	s15 =	simm.s32 $0x4;
	s16 =	sadd.s32 $0x40, s16;
	s12 =	sor.u32 $0x4000, s31;
	[tilespmem:s13+$0x1830 ss:$0x81] =	vst.msk $0xffff, v3  }
.LBB1_3:
0x2c: {  	v3 =	vld [tilespmem:s16+$0x10];
	p1 =	sne.s32 s15, $0x1FC;
	[tilespmem:s13+$0x810 ss:$0x81] =	vst.msk $0xffff, v2;
	s17 =	smov.u32 s15;
	s15 =	sadd.s32 $0x4, s15  }
.Ltmp3:
0x2d: {  	v2 =	vld [tilespmem:s16+$0xFFFFFFF0];
	[tilespmem:s13+$0x1020 ss:$0x81] =	vst.msk $0xffff, v0;
	(pc) =	sbr.rel @p1 .LBB1_3-.Ltmp3, $4  }
0x2e: {  	v0 =	vld [tilespmem:s16+$0x0];
	[tilespmem:s13+$0x0 ss:$0x81] =	vst.msk $0xffff, v1  }
0x2f: {  	s13 =	sshra.s32 s17, $0x2;
	v1 =	vld [tilespmem:s16+$0xFFFFFFE0]  }
0x30: {  	s13 =	sadd.s32 s13, s14  }
0x31: {  	s16 =	sadd.s32 $0x40, s16;
	[tilespmem:s13+$0x1830 ss:$0x81] =	vst.msk $0xffff, v3  }
.Ltmp4:
0x32: {  	_ = 	snop;
	(pc) =	sbr.rel .LBB1_4-.Ltmp4, $1  }
0x33: {  	_ =	sdelay $0x3  }
.LBB1_6:
0x34: {  	_ =	sfence.sel $0x180000  }
0x35: {  	s2 =	simm.s32 $0x1;
	[bflag:$0x0] =	sbarrier.arrive $0xFFFF  }
0x36: {  	s31 =	simm.s32 $0x2;
	[sflag:s2] =	ssyncpa.u1 $0x1  }
0x37: {  	[sflag:s31] =	ssyncpa.u1 $0x1  }
0x38: {  	p0 =	sne.s32 s0, $0x0;
	_ =	strace $0x9000004D  }
0x39: {  	s0 =	sadd.s32 @!p0 $0x100000, s1;
	[bflag:$0x2] =	sbarrier.arrive $0xFFFF  }
0x3a: {  	[sflag:s0] =	ssyncadd.tile.s32 @!p0 $0x1;
	_ =	shalt  }
.Lfunc_end1:
_tile_overlayer_lowered:
.L_overlay_start_2:
0x3b: {  	(tag) =	ssettag $0x2  }
0x3c: {  	s0 =	rddreg [dreg:$0x0];
	s2 =	stileid.u32  }
0x3d: {  	s1 =	rddreg [dreg:$0x1];
	p0 =	sne.s32 s2, $0x0  }
0x3e: {  	s3 =	rddreg [dreg:$0x2];
	[bflag:$0x3] =	sbarrier.arrive $0xFFFF;
	s2 =	simm.s32 @!p0 $0x1C01  }
0x3f: {  	[timem:s3], [sflag:s2] =	dma.local @!p0 [hbm:s0], s1  }
0x40: {  	s0 =	simm.s32 @!p0 $0x1  }
0x41: {  	_ =	swait.ge @!p0 [sflag:s0], s1  }
0x42: {  	s1 =	ssub.s32 @!p0 $0x0, s1;
	[sflag:s0] =	ssyncset.done @!p0 $0x0  }
0x43: {  	[sflag:s0] =	ssyncadd.s32 @!p0 s1  }
0x44: {  	[bflag:$0x3] =	sbarrier.arrive $0xFFFF  }
0x45: {  	_ =	shalt  }

</sc_bundles>
